<compile_context>
chip_gen: v7x
topology: tpu7x:2x2x1
jax: 0.10.2.dev20260603
libtpu: 0.0.44.dev20260713+nightly
codegen_flags: <defaults>
</compile_context>

<pallas_src>
import functools
import math

import jax
import jax.numpy as jnp
from jax import lax
from jax.experimental import pallas as pl
from jax.experimental.pallas import tpu as pltpu
from jax.experimental.pallas import tpu_sc as plsc

D = 32
SCALE = math.sqrt(D)
NC, NS = 2, 16
NW = NC * NS
GW = 128
NG = 5
CH = NG * GW
NBUF = 4
FBC = 6400


def _feeder(tt, V):
    grid = (V + FBC - 1) // FBC

    Q = FBC // 4

    def body(in_ref, o_ref):
        rows = lax.broadcasted_iota(jnp.int32, (D, 4 * D), 0)
        cols = lax.broadcasted_iota(jnp.int32, (D, 4 * D), 1)
        acc = None
        for c in range(4):
            ident_c = jnp.where(
                cols == rows + c * D, jnp.float32(1.0), jnp.float32(0.0)
            )
            part = lax.dot_general(
                in_ref[:, pl.ds(c * Q, Q)], ident_c, (((0,), (0,)), ((), ())),
                preferred_element_type=jnp.float32,
            )
            acc = part if acc is None else acc + part
        o_ref[...] = acc * SCALE

    return pl.pallas_call(
        body,
        grid=(grid,),
        in_specs=[pl.BlockSpec((D, FBC), lambda g: (0, g))],
        out_specs=pl.BlockSpec((Q, 128), lambda g: (g, 0)),
        out_shape=jax.ShapeDtypeStruct((grid * Q, 128), jnp.float32),
    )(tt)


def _make_gather(B: int, V: int):
    rows_per_w = B // NW
    nchunk = rows_per_w // CH
    nxrow = rows_per_w // GW
    nouter = nchunk // NBUF

    @functools.partial(
        pl.kernel,
        out_type=jax.ShapeDtypeStruct((B, D), jnp.float32),
        mesh=plsc.VectorSubcoreMesh(core_axis_name="c", subcore_axis_name="s"),
        scratch_types=[
            pltpu.VMEM((nxrow, GW), jnp.int32),
            [pltpu.VMEM((CH, D), jnp.float32) for _ in range(NBUF)],
            [pltpu.SemaphoreType.DMA for _ in range(NBUF)],
            [pltpu.SemaphoreType.DMA for _ in range(NBUF)],
        ],
        compiler_params=pltpu.CompilerParams(
            use_tc_tiling_on_sc=False, needs_layout_passes=False
        ),
    )
    def run(x_ref, t_ref, o_ref, idx_all, rows, gsem, osem):
        wid = lax.axis_index("s") * NC + lax.axis_index("c")
        obase = wid * rows_per_w

        pltpu.sync_copy(x_ref.at[pl.ds(wid * nxrow, nxrow)], idx_all)

        def fire(c, k):
            rb = c * NG
            for j in range(NG):
                pltpu.async_copy(
                    t_ref.at[idx_all.at[rb + j]],
                    rows[k].at[pl.ds(j * GW, GW)],
                    gsem[k],
                )

        def wait_gathers(k):
            pltpu.make_async_copy(o_ref.at[pl.ds(0, CH)], rows[k], gsem[k]).wait()

        def wait_store(k):
            pltpu.make_async_copy(rows[k], o_ref.at[pl.ds(0, CH)], osem[k]).wait()

        for k in range(NBUF - 1):
            fire(k, k)

        def step(t, carry):
            for k in range(NBUF):
                c = NBUF * t + k
                wait_gathers(k)
                pltpu.async_copy(
                    rows[k], o_ref.at[pl.ds(obase + c * CH, CH)], osem[k]
                )
                kb = (k + NBUF - 1) % NBUF
                if k == 0:
                    @pl.when(t > 0)
                    def _():
                        wait_store(kb)
                        fire(c + NBUF - 1, kb)

                    @pl.when(t == 0)
                    def _():
                        fire(c + NBUF - 1, kb)
                else:
                    @pl.when(c + NBUF - 1 < nchunk)
                    def _():
                        wait_store(kb)
                        fire(c + NBUF - 1, kb)
            return carry

        lax.fori_loop(0, nouter, step, 0)
        for k in range(NBUF):
            wait_store(k)

    return run


def kernel(x, table):
    B = x.shape[0] * x.shape[1]
    V = table.shape[0]
    xi = x.astype(jnp.int32)
    rem = xi % FBC
    xr = (xi - rem) + 4 * (rem % (FBC // 4)) + rem // (FBC // 4)
    xf = xr.reshape(B // GW, GW)
    tt = jnp.transpose(table)
    tperm = _feeder(tt, V)
    tscaled = jnp.reshape(tperm, (tperm.shape[0] * 4, D))
    out = _make_gather(B, V)(xf, tscaled)
    return out.reshape(x.shape + (D,))

# --- scband reference (transcript-rebuilt; emitter-appended) ---
"""Pipeline reference for scband-embedding-84791244357983 (READ-ONLY COPY).

The authoritative reference and input builder live on the scoring server;
editing this copy changes nothing except your own understanding.
"""

import math
import jax, jax.numpy as jnp
import numpy as np

EMBEDDING_D = 32
VOCAB_SIZE = 1000000

def setup_inputs(seed: int = 0) -> dict:
    key = jax.random.key(seed)
    k_idx, k_tab = jax.random.split(key)
    x = jax.random.randint(k_idx, (4096, 200), 0, VOCAB_SIZE, dtype=jnp.int64 if jax.config.jax_enable_x64 else jnp.int32)
    table = jax.random.normal(k_tab, (VOCAB_SIZE, EMBEDDING_D), dtype=jnp.float32)
    return {"x": x, "table": table}

def reference(x, table):
    # nn.Embedding lookup scaled by sqrt(embedding_d)
    emb = jnp.take(table, x, axis=0)
    return emb * math.sqrt(EMBEDDING_D)

if __name__ == "__main__":
    import jax
    _d = setup_inputs()
    print(jax.jit(kernel)(*tuple(_d.values())))

</pallas_src>

<mosaic_0001>
#map = affine_map<(d0, d1) -> (0, 0)>
module attributes {stable_mosaic.version = 14 : i64} {
  func.func @run(%arg0: i32, %arg1: i32, %arg2: memref<6400x128xi32, #tpu.memory_space<hbm>>, %arg3: memref<1004800x32xf32, #tpu.memory_space<hbm>>, %arg4: memref<819200x32xf32, #tpu.memory_space<hbm>>, %arg5: memref<200x128xi32, #tpu.memory_space<vmem>>, %arg6: memref<640x32xf32, #tpu.memory_space<vmem>>, %arg7: memref<640x32xf32, #tpu.memory_space<vmem>>, %arg8: memref<640x32xf32, #tpu.memory_space<vmem>>, %arg9: memref<640x32xf32, #tpu.memory_space<vmem>>, %arg10: memref<!tpu.dma_semaphore, #tpu.memory_space<semaphore_mem>>, %arg11: memref<!tpu.dma_semaphore, #tpu.memory_space<semaphore_mem>>, %arg12: memref<!tpu.dma_semaphore, #tpu.memory_space<semaphore_mem>>, %arg13: memref<!tpu.dma_semaphore, #tpu.memory_space<semaphore_mem>>, %arg14: memref<!tpu.dma_semaphore, #tpu.memory_space<semaphore_mem>>, %arg15: memref<!tpu.dma_semaphore, #tpu.memory_space<semaphore_mem>>, %arg16: memref<!tpu.dma_semaphore, #tpu.memory_space<semaphore_mem>>, %arg17: memref<!tpu.dma_semaphore, #tpu.memory_space<semaphore_mem>>) attributes {dimension_semantics = [#tpu.dimension_semantics<core_parallel>, #tpu.dimension_semantics<subcore_parallel>], iteration_bounds = array<i64: 2, 16>, scalar_prefetch = 0 : i64, scratch_operands = 13 : i64, tpu.core_type = #tpu.core_type<sc_vector_subcore>, window_params = [{transform_indices = #map}, {transform_indices = #map}, {transform_indices = #map}]} {
    %mul3A = arith.constant 2 : i32
    %mul3A_0 = arith.muli %arg1, %mul3A : i32
    %add3A = arith.addi %mul3A_0, %arg0 : i32
    %mul3A_1 = arith.constant 25600 : i32
    %mul3A_2 = arith.muli %add3A, %mul3A_1 : i32
    %mul3A_3 = arith.constant 200 : i32
    %mul3A_4 = arith.muli %add3A, %mul3A_3 : i32
    "tpu.region"() ({
      %run_scoped3A = tpu.sem_alloc : memref<!tpu.dma_semaphore, #tpu.memory_space<semaphore_mem>>
      %dma_start3A_182 = arith.constant 0 : i32
      %dma_start3A_183 = tpu.memref_slice %arg2[%mul3A_4, %dma_start3A_182] : memref<6400x128xi32, #tpu.memory_space<hbm>> -> memref<200x128xi32, #tpu.memory_space<hbm>>
      %dma_start3A_184 = arith.constant 0 : i32
      %dma_start3A_185 = tpu.memref_slice %arg2[%mul3A_4, %dma_start3A_184] : memref<6400x128xi32, #tpu.memory_space<hbm>> -> memref<200x128xi32, #tpu.memory_space<hbm>>
      tpu.enqueue_dma source(%dma_start3A_185 : memref<200x128xi32, #tpu.memory_space<hbm>>) target(%arg5 : memref<200x128xi32, #tpu.memory_space<vmem>>) target_semaphore(%run_scoped3A : memref<!tpu.dma_semaphore, #tpu.memory_space<semaphore_mem>>)
      %dma_wait3A_186 = arith.constant 0 : i32
      %dma_wait3A_187 = tpu.memref_slice %arg2[%mul3A_4, %dma_wait3A_186] : memref<6400x128xi32, #tpu.memory_space<hbm>> -> memref<200x128xi32, #tpu.memory_space<hbm>>
      %dma_wait3A_188 = arith.constant 0 : i32
      %dma_wait3A_189 = tpu.memref_slice %arg2[%mul3A_4, %dma_wait3A_188] : memref<6400x128xi32, #tpu.memory_space<hbm>> -> memref<200x128xi32, #tpu.memory_space<hbm>>
      tpu.wait_dma2 semaphore(%run_scoped3A : memref<!tpu.dma_semaphore, #tpu.memory_space<semaphore_mem>>) src(%dma_wait3A_189 : memref<200x128xi32, #tpu.memory_space<hbm>>) dst(%arg5 : memref<200x128xi32, #tpu.memory_space<vmem>>)
      tpu.yield
    }) : () -> ()
    %dma_start3A = arith.constant 0 : i32
    %dma_start3A_5 = arith.constant 0 : i32
    %dma_start3A_6 = arith.constant 0 : i32
    %dma_start3A_7 = tpu.memref_slice %arg6[%dma_start3A_5, %dma_start3A_6] : memref<640x32xf32, #tpu.memory_space<vmem>> -> memref<128x32xf32, #tpu.memory_space<vmem>>
    %dma_start3A_8 = arith.constant 0 : i32
    %dma_start3A_9 = tpu.memref_slice %arg5[%dma_start3A, %dma_start3A_8] : memref<200x128xi32, #tpu.memory_space<vmem>> -> memref<1x128xi32, #tpu.memory_space<vmem>>
    %dma_start3A_10 = tpu.memref_squeeze %dma_start3A_9 : memref<1x128xi32, #tpu.memory_space<vmem>> -> memref<128xi32, #tpu.memory_space<vmem>>
    %dma_start3A_11 = arith.constant 0 : i32
    %dma_start3A_12 = arith.constant 0 : i32
    %dma_start3A_13 = tpu.memref_slice %arg3[%dma_start3A_11, %dma_start3A_12] : memref<1004800x32xf32, #tpu.memory_space<hbm>> -> memref<1004800x32xf32, #tpu.memory_space<hbm>>
    tpu.enqueue_indirect_dma source(%dma_start3A_13 : memref<1004800x32xf32, #tpu.memory_space<hbm>>) target(%dma_start3A_7 : memref<128x32xf32, #tpu.memory_space<vmem>>) offsets(%dma_start3A_10 : memref<128xi32, #tpu.memory_space<vmem>>) semaphore(%arg10 : memref<!tpu.dma_semaphore, #tpu.memory_space<semaphore_mem>>)
    %dma_start3A_14 = arith.constant 1 : i32
    %dma_start3A_15 = arith.constant 128 : i32
    %dma_start3A_16 = arith.constant 0 : i32
    %dma_start3A_17 = tpu.memref_slice %arg6[%dma_start3A_15, %dma_start3A_16] : memref<640x32xf32, #tpu.memory_space<vmem>> -> memref<128x32xf32, #tpu.memory_space<vmem>>
    %dma_start3A_18 = arith.constant 0 : i32
    %dma_start3A_19 = tpu.memref_slice %arg5[%dma_start3A_14, %dma_start3A_18] : memref<200x128xi32, #tpu.memory_space<vmem>> -> memref<1x128xi32, #tpu.memory_space<vmem>>
    %dma_start3A_20 = tpu.memref_squeeze %dma_start3A_19 : memref<1x128xi32, #tpu.memory_space<vmem>> -> memref<128xi32, #tpu.memory_space<vmem>>
    %dma_start3A_21 = arith.constant 0 : i32
    %dma_start3A_22 = arith.constant 0 : i32
    %dma_start3A_23 = tpu.memref_slice %arg3[%dma_start3A_21, %dma_start3A_22] : memref<1004800x32xf32, #tpu.memory_space<hbm>> -> memref<1004800x32xf32, #tpu.memory_space<hbm>>
    tpu.enqueue_indirect_dma source(%dma_start3A_23 : memref<1004800x32xf32, #tpu.memory_space<hbm>>) target(%dma_start3A_17 : memref<128x32xf32, #tpu.memory_space<vmem>>) offsets(%dma_start3A_20 : memref<128xi32, #tpu.memory_space<vmem>>) semaphore(%arg10 : memref<!tpu.dma_semaphore, #tpu.memory_space<semaphore_mem>>)
    %dma_start3A_24 = arith.constant 2 : i32
    %dma_start3A_25 = arith.constant 256 : i32
    %dma_start3A_26 = arith.constant 0 : i32
    %dma_start3A_27 = tpu.memref_slice %arg6[%dma_start3A_25, %dma_start3A_26] : memref<640x32xf32, #tpu.memory_space<vmem>> -> memref<128x32xf32, #tpu.memory_space<vmem>>
    %dma_start3A_28 = arith.constant 0 : i32
    %dma_start3A_29 = tpu.memref_slice %arg5[%dma_start3A_24, %dma_start3A_28] : memref<200x128xi32, #tpu.memory_space<vmem>> -> memref<1x128xi32, #tpu.memory_space<vmem>>
    %dma_start3A_30 = tpu.memref_squeeze %dma_start3A_29 : memref<1x128xi32, #tpu.memory_space<vmem>> -> memref<128xi32, #tpu.memory_space<vmem>>
    %dma_start3A_31 = arith.constant 0 : i32
    %dma_start3A_32 = arith.constant 0 : i32
    %dma_start3A_33 = tpu.memref_slice %arg3[%dma_start3A_31, %dma_start3A_32] : memref<1004800x32xf32, #tpu.memory_space<hbm>> -> memref<1004800x32xf32, #tpu.memory_space<hbm>>
    tpu.enqueue_indirect_dma source(%dma_start3A_33 : memref<1004800x32xf32, #tpu.memory_space<hbm>>) target(%dma_start3A_27 : memref<128x32xf32, #tpu.memory_space<vmem>>) offsets(%dma_start3A_30 : memref<128xi32, #tpu.memory_space<vmem>>) semaphore(%arg10 : memref<!tpu.dma_semaphore, #tpu.memory_space<semaphore_mem>>)
    %dma_start3A_34 = arith.constant 3 : i32
    %dma_start3A_35 = arith.constant 384 : i32
    %dma_start3A_36 = arith.constant 0 : i32
    %dma_start3A_37 = tpu.memref_slice %arg6[%dma_start3A_35, %dma_start3A_36] : memref<640x32xf32, #tpu.memory_space<vmem>> -> memref<128x32xf32, #tpu.memory_space<vmem>>
    %dma_start3A_38 = arith.constant 0 : i32
    %dma_start3A_39 = tpu.memref_slice %arg5[%dma_start3A_34, %dma_start3A_38] : memref<200x128xi32, #tpu.memory_space<vmem>> -> memref<1x128xi32, #tpu.memory_space<vmem>>
    %dma_start3A_40 = tpu.memref_squeeze %dma_start3A_39 : memref<1x128xi32, #tpu.memory_space<vmem>> -> memref<128xi32, #tpu.memory_space<vmem>>
    %dma_start3A_41 = arith.constant 0 : i32
    %dma_start3A_42 = arith.constant 0 : i32
    %dma_start3A_43 = tpu.memref_slice %arg3[%dma_start3A_41, %dma_start3A_42] : memref<1004800x32xf32, #tpu.memory_space<hbm>> -> memref<1004800x32xf32, #tpu.memory_space<hbm>>
    tpu.enqueue_indirect_dma source(%dma_start3A_43 : memref<1004800x32xf32, #tpu.memory_space<hbm>>) target(%dma_start3A_37 : memref<128x32xf32, #tpu.memory_space<vmem>>) offsets(%dma_start3A_40 : memref<128xi32, #tpu.memory_space<vmem>>) semaphore(%arg10 : memref<!tpu.dma_semaphore, #tpu.memory_space<semaphore_mem>>)
    %dma_start3A_44 = arith.constant 4 : i32
    %dma_start3A_45 = arith.constant 512 : i32
    %dma_start3A_46 = arith.constant 0 : i32
    %dma_start3A_47 = tpu.memref_slice %arg6[%dma_start3A_45, %dma_start3A_46] : memref<640x32xf32, #tpu.memory_space<vmem>> -> memref<128x32xf32, #tpu.memory_space<vmem>>
    %dma_start3A_48 = arith.constant 0 : i32
    %dma_start3A_49 = tpu.memref_slice %arg5[%dma_start3A_44, %dma_start3A_48] : memref<200x128xi32, #tpu.memory_space<vmem>> -> memref<1x128xi32, #tpu.memory_space<vmem>>
    %dma_start3A_50 = tpu.memref_squeeze %dma_start3A_49 : memref<1x128xi32, #tpu.memory_space<vmem>> -> memref<128xi32, #tpu.memory_space<vmem>>
    %dma_start3A_51 = arith.constant 0 : i32
    %dma_start3A_52 = arith.constant 0 : i32
    %dma_start3A_53 = tpu.memref_slice %arg3[%dma_start3A_51, %dma_start3A_52] : memref<1004800x32xf32, #tpu.memory_space<hbm>> -> memref<1004800x32xf32, #tpu.memory_space<hbm>>
    tpu.enqueue_indirect_dma source(%dma_start3A_53 : memref<1004800x32xf32, #tpu.memory_space<hbm>>) target(%dma_start3A_47 : memref<128x32xf32, #tpu.memory_space<vmem>>) offsets(%dma_start3A_50 : memref<128xi32, #tpu.memory_space<vmem>>) semaphore(%arg10 : memref<!tpu.dma_semaphore, #tpu.memory_space<semaphore_mem>>)
    %dma_start3A_54 = arith.constant 5 : i32
    %dma_start3A_55 = arith.constant 0 : i32
    %dma_start3A_56 = arith.constant 0 : i32
    %dma_start3A_57 = tpu.memref_slice %arg7[%dma_start3A_55, %dma_start3A_56] : memref<640x32xf32, #tpu.memory_space<vmem>> -> memref<128x32xf32, #tpu.memory_space<vmem>>
    %dma_start3A_58 = arith.constant 0 : i32
    %dma_start3A_59 = tpu.memref_slice %arg5[%dma_start3A_54, %dma_start3A_58] : memref<200x128xi32, #tpu.memory_space<vmem>> -> memref<1x128xi32, #tpu.memory_space<vmem>>
    %dma_start3A_60 = tpu.memref_squeeze %dma_start3A_59 : memref<1x128xi32, #tpu.memory_space<vmem>> -> memref<128xi32, #tpu.memory_space<vmem>>
    %dma_start3A_61 = arith.constant 0 : i32
    %dma_start3A_62 = arith.constant 0 : i32
    %dma_start3A_63 = tpu.memref_slice %arg3[%dma_start3A_61, %dma_start3A_62] : memref<1004800x32xf32, #tpu.memory_space<hbm>> -> memref<1004800x32xf32, #tpu.memory_space<hbm>>
    tpu.enqueue_indirect_dma source(%dma_start3A_63 : memref<1004800x32xf32, #tpu.memory_space<hbm>>) target(%dma_start3A_57 : memref<128x32xf32, #tpu.memory_space<vmem>>) offsets(%dma_start3A_60 : memref<128xi32, #tpu.memory_space<vmem>>) semaphore(%arg11 : memref<!tpu.dma_semaphore, #tpu.memory_space<semaphore_mem>>)
    %dma_start3A_64 = arith.constant 6 : i32
    %dma_start3A_65 = arith.constant 128 : i32
    %dma_start3A_66 = arith.constant 0 : i32
    %dma_start3A_67 = tpu.memref_slice %arg7[%dma_start3A_65, %dma_start3A_66] : memref<640x32xf32, #tpu.memory_space<vmem>> -> memref<128x32xf32, #tpu.memory_space<vmem>>
    %dma_start3A_68 = arith.constant 0 : i32
    %dma_start3A_69 = tpu.memref_slice %arg5[%dma_start3A_64, %dma_start3A_68] : memref<200x128xi32, #tpu.memory_space<vmem>> -> memref<1x128xi32, #tpu.memory_space<vmem>>
    %dma_start3A_70 = tpu.memref_squeeze %dma_start3A_69 : memref<1x128xi32, #tpu.memory_space<vmem>> -> memref<128xi32, #tpu.memory_space<vmem>>
    %dma_start3A_71 = arith.constant 0 : i32
    %dma_start3A_72 = arith.constant 0 : i32
    %dma_start3A_73 = tpu.memref_slice %arg3[%dma_start3A_71, %dma_start3A_72] : memref<1004800x32xf32, #tpu.memory_space<hbm>> -> memref<1004800x32xf32, #tpu.memory_space<hbm>>
    tpu.enqueue_indirect_dma source(%dma_start3A_73 : memref<1004800x32xf32, #tpu.memory_space<hbm>>) target(%dma_start3A_67 : memref<128x32xf32, #tpu.memory_space<vmem>>) offsets(%dma_start3A_70 : memref<128xi32, #tpu.memory_space<vmem>>) semaphore(%arg11 : memref<!tpu.dma_semaphore, #tpu.memory_space<semaphore_mem>>)
    %dma_start3A_74 = arith.constant 7 : i32
    %dma_start3A_75 = arith.constant 256 : i32
    %dma_start3A_76 = arith.constant 0 : i32
    %dma_start3A_77 = tpu.memref_slice %arg7[%dma_start3A_75, %dma_start3A_76] : memref<640x32xf32, #tpu.memory_space<vmem>> -> memref<128x32xf32, #tpu.memory_space<vmem>>
    %dma_start3A_78 = arith.constant 0 : i32
    %dma_start3A_79 = tpu.memref_slice %arg5[%dma_start3A_74, %dma_start3A_78] : memref<200x128xi32, #tpu.memory_space<vmem>> -> memref<1x128xi32, #tpu.memory_space<vmem>>
    %dma_start3A_80 = tpu.memref_squeeze %dma_start3A_79 : memref<1x128xi32, #tpu.memory_space<vmem>> -> memref<128xi32, #tpu.memory_space<vmem>>
    %dma_start3A_81 = arith.constant 0 : i32
    %dma_start3A_82 = arith.constant 0 : i32
    %dma_start3A_83 = tpu.memref_slice %arg3[%dma_start3A_81, %dma_start3A_82] : memref<1004800x32xf32, #tpu.memory_space<hbm>> -> memref<1004800x32xf32, #tpu.memory_space<hbm>>
    tpu.enqueue_indirect_dma source(%dma_start3A_83 : memref<1004800x32xf32, #tpu.memory_space<hbm>>) target(%dma_start3A_77 : memref<128x32xf32, #tpu.memory_space<vmem>>) offsets(%dma_start3A_80 : memref<128xi32, #tpu.memory_space<vmem>>) semaphore(%arg11 : memref<!tpu.dma_semaphore, #tpu.memory_space<semaphore_mem>>)
    %dma_start3A_84 = arith.constant 8 : i32
    %dma_start3A_85 = arith.constant 384 : i32
    %dma_start3A_86 = arith.constant 0 : i32
    %dma_start3A_87 = tpu.memref_slice %arg7[%dma_start3A_85, %dma_start3A_86] : memref<640x32xf32, #tpu.memory_space<vmem>> -> memref<128x32xf32, #tpu.memory_space<vmem>>
    %dma_start3A_88 = arith.constant 0 : i32
    %dma_start3A_89 = tpu.memref_slice %arg5[%dma_start3A_84, %dma_start3A_88] : memref<200x128xi32, #tpu.memory_space<vmem>> -> memref<1x128xi32, #tpu.memory_space<vmem>>
    %dma_start3A_90 = tpu.memref_squeeze %dma_start3A_89 : memref<1x128xi32, #tpu.memory_space<vmem>> -> memref<128xi32, #tpu.memory_space<vmem>>
    %dma_start3A_91 = arith.constant 0 : i32
    %dma_start3A_92 = arith.constant 0 : i32
    %dma_start3A_93 = tpu.memref_slice %arg3[%dma_start3A_91, %dma_start3A_92] : memref<1004800x32xf32, #tpu.memory_space<hbm>> -> memref<1004800x32xf32, #tpu.memory_space<hbm>>
    tpu.enqueue_indirect_dma source(%dma_start3A_93 : memref<1004800x32xf32, #tpu.memory_space<hbm>>) target(%dma_start3A_87 : memref<128x32xf32, #tpu.memory_space<vmem>>) offsets(%dma_start3A_90 : memref<128xi32, #tpu.memory_space<vmem>>) semaphore(%arg11 : memref<!tpu.dma_semaphore, #tpu.memory_space<semaphore_mem>>)
    %dma_start3A_94 = arith.constant 9 : i32
    %dma_start3A_95 = arith.constant 512 : i32
    %dma_start3A_96 = arith.constant 0 : i32
    %dma_start3A_97 = tpu.memref_slice %arg7[%dma_start3A_95, %dma_start3A_96] : memref<640x32xf32, #tpu.memory_space<vmem>> -> memref<128x32xf32, #tpu.memory_space<vmem>>
    %dma_start3A_98 = arith.constant 0 : i32
    %dma_start3A_99 = tpu.memref_slice %arg5[%dma_start3A_94, %dma_start3A_98] : memref<200x128xi32, #tpu.memory_space<vmem>> -> memref<1x128xi32, #tpu.memory_space<vmem>>
    %dma_start3A_100 = tpu.memref_squeeze %dma_start3A_99 : memref<1x128xi32, #tpu.memory_space<vmem>> -> memref<128xi32, #tpu.memory_space<vmem>>
    %dma_start3A_101 = arith.constant 0 : i32
    %dma_start3A_102 = arith.constant 0 : i32
    %dma_start3A_103 = tpu.memref_slice %arg3[%dma_start3A_101, %dma_start3A_102] : memref<1004800x32xf32, #tpu.memory_space<hbm>> -> memref<1004800x32xf32, #tpu.memory_space<hbm>>
    tpu.enqueue_indirect_dma source(%dma_start3A_103 : memref<1004800x32xf32, #tpu.memory_space<hbm>>) target(%dma_start3A_97 : memref<128x32xf32, #tpu.memory_space<vmem>>) offsets(%dma_start3A_100 : memref<128xi32, #tpu.memory_space<vmem>>) semaphore(%arg11 : memref<!tpu.dma_semaphore, #tpu.memory_space<semaphore_mem>>)
    %dma_start3A_104 = arith.constant 10 : i32
    %dma_start3A_105 = arith.constant 0 : i32
    %dma_start3A_106 = arith.constant 0 : i32
    %dma_start3A_107 = tpu.memref_slice %arg8[%dma_start3A_105, %dma_start3A_106] : memref<640x32xf32, #tpu.memory_space<vmem>> -> memref<128x32xf32, #tpu.memory_space<vmem>>
    %dma_start3A_108 = arith.constant 0 : i32
    %dma_start3A_109 = tpu.memref_slice %arg5[%dma_start3A_104, %dma_start3A_108] : memref<200x128xi32, #tpu.memory_space<vmem>> -> memref<1x128xi32, #tpu.memory_space<vmem>>
    %dma_start3A_110 = tpu.memref_squeeze %dma_start3A_109 : memref<1x128xi32, #tpu.memory_space<vmem>> -> memref<128xi32, #tpu.memory_space<vmem>>
    %dma_start3A_111 = arith.constant 0 : i32
    %dma_start3A_112 = arith.constant 0 : i32
    %dma_start3A_113 = tpu.memref_slice %arg3[%dma_start3A_111, %dma_start3A_112] : memref<1004800x32xf32, #tpu.memory_space<hbm>> -> memref<1004800x32xf32, #tpu.memory_space<hbm>>
    tpu.enqueue_indirect_dma source(%dma_start3A_113 : memref<1004800x32xf32, #tpu.memory_space<hbm>>) target(%dma_start3A_107 : memref<128x32xf32, #tpu.memory_space<vmem>>) offsets(%dma_start3A_110 : memref<128xi32, #tpu.memory_space<vmem>>) semaphore(%arg12 : memref<!tpu.dma_semaphore, #tpu.memory_space<semaphore_mem>>)
    %dma_start3A_114 = arith.constant 11 : i32
    %dma_start3A_115 = arith.constant 128 : i32
    %dma_start3A_116 = arith.constant 0 : i32
    %dma_start3A_117 = tpu.memref_slice %arg8[%dma_start3A_115, %dma_start3A_116] : memref<640x32xf32, #tpu.memory_space<vmem>> -> memref<128x32xf32, #tpu.memory_space<vmem>>
    %dma_start3A_118 = arith.constant 0 : i32
    %dma_start3A_119 = tpu.memref_slice %arg5[%dma_start3A_114, %dma_start3A_118] : memref<200x128xi32, #tpu.memory_space<vmem>> -> memref<1x128xi32, #tpu.memory_space<vmem>>
    %dma_start3A_120 = tpu.memref_squeeze %dma_start3A_119 : memref<1x128xi32, #tpu.memory_space<vmem>> -> memref<128xi32, #tpu.memory_space<vmem>>
    %dma_start3A_121 = arith.constant 0 : i32
    %dma_start3A_122 = arith.constant 0 : i32
    %dma_start3A_123 = tpu.memref_slice %arg3[%dma_start3A_121, %dma_start3A_122] : memref<1004800x32xf32, #tpu.memory_space<hbm>> -> memref<1004800x32xf32, #tpu.memory_space<hbm>>
    tpu.enqueue_indirect_dma source(%dma_start3A_123 : memref<1004800x32xf32, #tpu.memory_space<hbm>>) target(%dma_start3A_117 : memref<128x32xf32, #tpu.memory_space<vmem>>) offsets(%dma_start3A_120 : memref<128xi32, #tpu.memory_space<vmem>>) semaphore(%arg12 : memref<!tpu.dma_semaphore, #tpu.memory_space<semaphore_mem>>)
    %dma_start3A_124 = arith.constant 12 : i32
    %dma_start3A_125 = arith.constant 256 : i32
    %dma_start3A_126 = arith.constant 0 : i32
    %dma_start3A_127 = tpu.memref_slice %arg8[%dma_start3A_125, %dma_start3A_126] : memref<640x32xf32, #tpu.memory_space<vmem>> -> memref<128x32xf32, #tpu.memory_space<vmem>>
    %dma_start3A_128 = arith.constant 0 : i32
    %dma_start3A_129 = tpu.memref_slice %arg5[%dma_start3A_124, %dma_start3A_128] : memref<200x128xi32, #tpu.memory_space<vmem>> -> memref<1x128xi32, #tpu.memory_space<vmem>>
    %dma_start3A_130 = tpu.memref_squeeze %dma_start3A_129 : memref<1x128xi32, #tpu.memory_space<vmem>> -> memref<128xi32, #tpu.memory_space<vmem>>
    %dma_start3A_131 = arith.constant 0 : i32
    %dma_start3A_132 = arith.constant 0 : i32
    %dma_start3A_133 = tpu.memref_slice %arg3[%dma_start3A_131, %dma_start3A_132] : memref<1004800x32xf32, #tpu.memory_space<hbm>> -> memref<1004800x32xf32, #tpu.memory_space<hbm>>
    tpu.enqueue_indirect_dma source(%dma_start3A_133 : memref<1004800x32xf32, #tpu.memory_space<hbm>>) target(%dma_start3A_127 : memref<128x32xf32, #tpu.memory_space<vmem>>) offsets(%dma_start3A_130 : memref<128xi32, #tpu.memory_space<vmem>>) semaphore(%arg12 : memref<!tpu.dma_semaphore, #tpu.memory_space<semaphore_mem>>)
    %dma_start3A_134 = arith.constant 13 : i32
    %dma_start3A_135 = arith.constant 384 : i32
    %dma_start3A_136 = arith.constant 0 : i32
    %dma_start3A_137 = tpu.memref_slice %arg8[%dma_start3A_135, %dma_start3A_136] : memref<640x32xf32, #tpu.memory_space<vmem>> -> memref<128x32xf32, #tpu.memory_space<vmem>>
    %dma_start3A_138 = arith.constant 0 : i32
    %dma_start3A_139 = tpu.memref_slice %arg5[%dma_start3A_134, %dma_start3A_138] : memref<200x128xi32, #tpu.memory_space<vmem>> -> memref<1x128xi32, #tpu.memory_space<vmem>>
    %dma_start3A_140 = tpu.memref_squeeze %dma_start3A_139 : memref<1x128xi32, #tpu.memory_space<vmem>> -> memref<128xi32, #tpu.memory_space<vmem>>
    %dma_start3A_141 = arith.constant 0 : i32
    %dma_start3A_142 = arith.constant 0 : i32
    %dma_start3A_143 = tpu.memref_slice %arg3[%dma_start3A_141, %dma_start3A_142] : memref<1004800x32xf32, #tpu.memory_space<hbm>> -> memref<1004800x32xf32, #tpu.memory_space<hbm>>
    tpu.enqueue_indirect_dma source(%dma_start3A_143 : memref<1004800x32xf32, #tpu.memory_space<hbm>>) target(%dma_start3A_137 : memref<128x32xf32, #tpu.memory_space<vmem>>) offsets(%dma_start3A_140 : memref<128xi32, #tpu.memory_space<vmem>>) semaphore(%arg12 : memref<!tpu.dma_semaphore, #tpu.memory_space<semaphore_mem>>)
    %dma_start3A_144 = arith.constant 14 : i32
    %dma_start3A_145 = arith.constant 512 : i32
    %dma_start3A_146 = arith.constant 0 : i32
    %dma_start3A_147 = tpu.memref_slice %arg8[%dma_start3A_145, %dma_start3A_146] : memref<640x32xf32, #tpu.memory_space<vmem>> -> memref<128x32xf32, #tpu.memory_space<vmem>>
    %dma_start3A_148 = arith.constant 0 : i32
    %dma_start3A_149 = tpu.memref_slice %arg5[%dma_start3A_144, %dma_start3A_148] : memref<200x128xi32, #tpu.memory_space<vmem>> -> memref<1x128xi32, #tpu.memory_space<vmem>>
    %dma_start3A_150 = tpu.memref_squeeze %dma_start3A_149 : memref<1x128xi32, #tpu.memory_space<vmem>> -> memref<128xi32, #tpu.memory_space<vmem>>
    %dma_start3A_151 = arith.constant 0 : i32
    %dma_start3A_152 = arith.constant 0 : i32
    %dma_start3A_153 = tpu.memref_slice %arg3[%dma_start3A_151, %dma_start3A_152] : memref<1004800x32xf32, #tpu.memory_space<hbm>> -> memref<1004800x32xf32, #tpu.memory_space<hbm>>
    tpu.enqueue_indirect_dma source(%dma_start3A_153 : memref<1004800x32xf32, #tpu.memory_space<hbm>>) target(%dma_start3A_147 : memref<128x32xf32, #tpu.memory_space<vmem>>) offsets(%dma_start3A_150 : memref<128xi32, #tpu.memory_space<vmem>>) semaphore(%arg12 : memref<!tpu.dma_semaphore, #tpu.memory_space<semaphore_mem>>)
    %scan3A = arith.constant 0 : i32
    %scan3A_154 = arith.constant 0 : i32
    %scan3A_155 = arith.constant 10 : i32
    %scan3A_156 = arith.addi %scan3A_154, %scan3A_155 : i32
    %scan3A_157 = arith.constant 1 : i32
    scf.for %scan3A_182 = %scan3A_154 to %scan3A_156 step %scan3A_157  : i32 {
      %mul3A_183 = arith.constant 4 : i32
      %mul3A_184 = arith.muli %mul3A_183, %scan3A_182 : i32
      %add3A_185 = arith.constant 0 : i32
      %add3A_186 = arith.addi %mul3A_184, %add3A_185 : i32
      %dma_wait3A_187 = arith.constant 0 : i32
      %dma_wait3A_188 = arith.constant 0 : i32
      %dma_wait3A_189 = tpu.memref_slice %arg4[%dma_wait3A_187, %dma_wait3A_188] : memref<819200x32xf32, #tpu.memory_space<hbm>> -> memref<640x32xf32, #tpu.memory_space<hbm>>
      %dma_wait3A_190 = arith.constant 0 : i32
      %dma_wait3A_191 = arith.constant 0 : i32
      %dma_wait3A_192 = tpu.memref_slice %arg4[%dma_wait3A_190, %dma_wait3A_191] : memref<819200x32xf32, #tpu.memory_space<hbm>> -> memref<640x32xf32, #tpu.memory_space<hbm>>
      tpu.wait_dma2 semaphore(%arg10 : memref<!tpu.dma_semaphore, #tpu.memory_space<semaphore_mem>>) src(%dma_wait3A_192 : memref<640x32xf32, #tpu.memory_space<hbm>>) dst(%arg6 : memref<640x32xf32, #tpu.memory_space<vmem>>)
      %mul3A_193 = arith.constant 640 : i32
      %mul3A_194 = arith.muli %add3A_186, %mul3A_193 : i32
      %add3A_195 = arith.addi %mul3A_2, %mul3A_194 : i32
      %dma_start3A_196 = arith.constant 0 : i32
      %dma_start3A_197 = tpu.memref_slice %arg4[%add3A_195, %dma_start3A_196] : memref<819200x32xf32, #tpu.memory_space<hbm>> -> memref<640x32xf32, #tpu.memory_space<hbm>>
      %dma_start3A_198 = arith.constant 0 : i32
      %dma_start3A_199 = tpu.memref_slice %arg4[%add3A_195, %dma_start3A_198] : memref<819200x32xf32, #tpu.memory_space<hbm>> -> memref<640x32xf32, #tpu.memory_space<hbm>>
      tpu.enqueue_dma source(%arg6 : memref<640x32xf32, #tpu.memory_space<vmem>>) target(%dma_start3A_199 : memref<640x32xf32, #tpu.memory_space<hbm>>) target_semaphore(%arg14 : memref<!tpu.dma_semaphore, #tpu.memory_space<semaphore_mem>>)
      %gt3A = arith.constant 0 : i32
      %gt3A_200 = arith.cmpi sgt, %scan3A_182, %gt3A : i32
      %convert_element_type3A = arith.extui %gt3A_200 : i1 to i32
      %cond3A = arith.constant 0 : i32
      %cond3A_201 = arith.cmpi ne, %convert_element_type3A, %cond3A : i32
      scf.if %cond3A_201 {
        %dma_wait3A_282 = arith.constant 0 : i32
        %dma_wait3A_283 = arith.constant 0 : i32
        %dma_wait3A_284 = tpu.memref_slice %arg4[%dma_wait3A_282, %dma_wait3A_283] : memref<819200x32xf32, #tpu.memory_space<hbm>> -> memref<640x32xf32, #tpu.memory_space<hbm>>
        %dma_wait3A_285 = arith.constant 0 : i32
        %dma_wait3A_286 = arith.constant 0 : i32
        %dma_wait3A_287 = tpu.memref_slice %arg4[%dma_wait3A_285, %dma_wait3A_286] : memref<819200x32xf32, #tpu.memory_space<hbm>> -> memref<640x32xf32, #tpu.memory_space<hbm>>
        tpu.wait_dma2 semaphore(%arg17 : memref<!tpu.dma_semaphore, #tpu.memory_space<semaphore_mem>>) src(%arg9 : memref<640x32xf32, #tpu.memory_space<vmem>>) dst(%dma_wait3A_287 : memref<640x32xf32, #tpu.memory_space<hbm>>)
        %add3A_288 = arith.constant 4 : i32
        %add3A_289 = arith.addi %add3A_186, %add3A_288 : i32
        %sub3A_290 = arith.constant 1 : i32
        %sub3A_291 = arith.subi %add3A_289, %sub3A_290 : i32
        %mul3A_292 = arith.constant 5 : i32
        %mul3A_293 = arith.muli %sub3A_291, %mul3A_292 : i32
        %add3A_294 = arith.constant 0 : i32
        %add3A_295 = arith.addi %mul3A_293, %add3A_294 : i32
        %dma_start3A_296 = arith.constant 0 : i32
        %dma_start3A_297 = arith.constant 0 : i32
        %dma_start3A_298 = tpu.memref_slice %arg9[%dma_start3A_296, %dma_start3A_297] : memref<640x32xf32, #tpu.memory_space<vmem>> -> memref<128x32xf32, #tpu.memory_space<vmem>>
        %dma_start3A_299 = arith.constant 0 : i32
        %dma_start3A_300 = tpu.memref_slice %arg5[%add3A_295, %dma_start3A_299] : memref<200x128xi32, #tpu.memory_space<vmem>> -> memref<1x128xi32, #tpu.memory_space<vmem>>
        %dma_start3A_301 = tpu.memref_squeeze %dma_start3A_300 : memref<1x128xi32, #tpu.memory_space<vmem>> -> memref<128xi32, #tpu.memory_space<vmem>>
        %dma_start3A_302 = arith.constant 0 : i32
        %dma_start3A_303 = arith.constant 0 : i32
        %dma_start3A_304 = tpu.memref_slice %arg3[%dma_start3A_302, %dma_start3A_303] : memref<1004800x32xf32, #tpu.memory_space<hbm>> -> memref<1004800x32xf32, #tpu.memory_space<hbm>>
        tpu.enqueue_indirect_dma source(%dma_start3A_304 : memref<1004800x32xf32, #tpu.memory_space<hbm>>) target(%dma_start3A_298 : memref<128x32xf32, #tpu.memory_space<vmem>>) offsets(%dma_start3A_301 : memref<128xi32, #tpu.memory_space<vmem>>) semaphore(%arg13 : memref<!tpu.dma_semaphore, #tpu.memory_space<semaphore_mem>>)
        %add3A_305 = arith.constant 1 : i32
        %add3A_306 = arith.addi %mul3A_293, %add3A_305 : i32
        %dma_start3A_307 = arith.constant 128 : i32
        %dma_start3A_308 = arith.constant 0 : i32
        %dma_start3A_309 = tpu.memref_slice %arg9[%dma_start3A_307, %dma_start3A_308] : memref<640x32xf32, #tpu.memory_space<vmem>> -> memref<128x32xf32, #tpu.memory_space<vmem>>
        %dma_start3A_310 = arith.constant 0 : i32
        %dma_start3A_311 = tpu.memref_slice %arg5[%add3A_306, %dma_start3A_310] : memref<200x128xi32, #tpu.memory_space<vmem>> -> memref<1x128xi32, #tpu.memory_space<vmem>>
        %dma_start3A_312 = tpu.memref_squeeze %dma_start3A_311 : memref<1x128xi32, #tpu.memory_space<vmem>> -> memref<128xi32, #tpu.memory_space<vmem>>
        %dma_start3A_313 = arith.constant 0 : i32
        %dma_start3A_314 = arith.constant 0 : i32
        %dma_start3A_315 = tpu.memref_slice %arg3[%dma_start3A_313, %dma_start3A_314] : memref<1004800x32xf32, #tpu.memory_space<hbm>> -> memref<1004800x32xf32, #tpu.memory_space<hbm>>
        tpu.enqueue_indirect_dma source(%dma_start3A_315 : memref<1004800x32xf32, #tpu.memory_space<hbm>>) target(%dma_start3A_309 : memref<128x32xf32, #tpu.memory_space<vmem>>) offsets(%dma_start3A_312 : memref<128xi32, #tpu.memory_space<vmem>>) semaphore(%arg13 : memref<!tpu.dma_semaphore, #tpu.memory_space<semaphore_mem>>)
        %add3A_316 = arith.constant 2 : i32
        %add3A_317 = arith.addi %mul3A_293, %add3A_316 : i32
        %dma_start3A_318 = arith.constant 256 : i32
        %dma_start3A_319 = arith.constant 0 : i32
        %dma_start3A_320 = tpu.memref_slice %arg9[%dma_start3A_318, %dma_start3A_319] : memref<640x32xf32, #tpu.memory_space<vmem>> -> memref<128x32xf32, #tpu.memory_space<vmem>>
        %dma_start3A_321 = arith.constant 0 : i32
        %dma_start3A_322 = tpu.memref_slice %arg5[%add3A_317, %dma_start3A_321] : memref<200x128xi32, #tpu.memory_space<vmem>> -> memref<1x128xi32, #tpu.memory_space<vmem>>
        %dma_start3A_323 = tpu.memref_squeeze %dma_start3A_322 : memref<1x128xi32, #tpu.memory_space<vmem>> -> memref<128xi32, #tpu.memory_space<vmem>>
        %dma_start3A_324 = arith.constant 0 : i32
        %dma_start3A_325 = arith.constant 0 : i32
        %dma_start3A_326 = tpu.memref_slice %arg3[%dma_start3A_324, %dma_start3A_325] : memref<1004800x32xf32, #tpu.memory_space<hbm>> -> memref<1004800x32xf32, #tpu.memory_space<hbm>>
        tpu.enqueue_indirect_dma source(%dma_start3A_326 : memref<1004800x32xf32, #tpu.memory_space<hbm>>) target(%dma_start3A_320 : memref<128x32xf32, #tpu.memory_space<vmem>>) offsets(%dma_start3A_323 : memref<128xi32, #tpu.memory_space<vmem>>) semaphore(%arg13 : memref<!tpu.dma_semaphore, #tpu.memory_space<semaphore_mem>>)
        %add3A_327 = arith.constant 3 : i32
        %add3A_328 = arith.addi %mul3A_293, %add3A_327 : i32
        %dma_start3A_329 = arith.constant 384 : i32
        %dma_start3A_330 = arith.constant 0 : i32
        %dma_start3A_331 = tpu.memref_slice %arg9[%dma_start3A_329, %dma_start3A_330] : memref<640x32xf32, #tpu.memory_space<vmem>> -> memref<128x32xf32, #tpu.memory_space<vmem>>
        %dma_start3A_332 = arith.constant 0 : i32
        %dma_start3A_333 = tpu.memref_slice %arg5[%add3A_328, %dma_start3A_332] : memref<200x128xi32, #tpu.memory_space<vmem>> -> memref<1x128xi32, #tpu.memory_space<vmem>>
        %dma_start3A_334 = tpu.memref_squeeze %dma_start3A_333 : memref<1x128xi32, #tpu.memory_space<vmem>> -> memref<128xi32, #tpu.memory_space<vmem>>
        %dma_start3A_335 = arith.constant 0 : i32
        %dma_start3A_336 = arith.constant 0 : i32
        %dma_start3A_337 = tpu.memref_slice %arg3[%dma_start3A_335, %dma_start3A_336] : memref<1004800x32xf32, #tpu.memory_space<hbm>> -> memref<1004800x32xf32, #tpu.memory_space<hbm>>
        tpu.enqueue_indirect_dma source(%dma_start3A_337 : memref<1004800x32xf32, #tpu.memory_space<hbm>>) target(%dma_start3A_331 : memref<128x32xf32, #tpu.memory_space<vmem>>) offsets(%dma_start3A_334 : memref<128xi32, #tpu.memory_space<vmem>>) semaphore(%arg13 : memref<!tpu.dma_semaphore, #tpu.memory_space<semaphore_mem>>)
        %add3A_338 = arith.constant 4 : i32
        %add3A_339 = arith.addi %mul3A_293, %add3A_338 : i32
        %dma_start3A_340 = arith.constant 512 : i32
        %dma_start3A_341 = arith.constant 0 : i32
        %dma_start3A_342 = tpu.memref_slice %arg9[%dma_start3A_340, %dma_start3A_341] : memref<640x32xf32, #tpu.memory_space<vmem>> -> memref<128x32xf32, #tpu.memory_space<vmem>>
        %dma_start3A_343 = arith.constant 0 : i32
        %dma_start3A_344 = tpu.memref_slice %arg5[%add3A_339, %dma_start3A_343] : memref<200x128xi32, #tpu.memory_space<vmem>> -> memref<1x128xi32, #tpu.memory_space<vmem>>
        %dma_start3A_345 = tpu.memref_squeeze %dma_start3A_344 : memref<1x128xi32, #tpu.memory_space<vmem>> -> memref<128xi32, #tpu.memory_space<vmem>>
        %dma_start3A_346 = arith.constant 0 : i32
        %dma_start3A_347 = arith.constant 0 : i32
        %dma_start3A_348 = tpu.memref_slice %arg3[%dma_start3A_346, %dma_start3A_347] : memref<1004800x32xf32, #tpu.memory_space<hbm>> -> memref<1004800x32xf32, #tpu.memory_space<hbm>>
        tpu.enqueue_indirect_dma source(%dma_start3A_348 : memref<1004800x32xf32, #tpu.memory_space<hbm>>) target(%dma_start3A_342 : memref<128x32xf32, #tpu.memory_space<vmem>>) offsets(%dma_start3A_345 : memref<128xi32, #tpu.memory_space<vmem>>) semaphore(%arg13 : memref<!tpu.dma_semaphore, #tpu.memory_space<semaphore_mem>>)
      } else {
      }
      %eq3A = arith.constant 0 : i32
      %eq3A_202 = arith.cmpi eq, %scan3A_182, %eq3A : i32
      %convert_element_type3A_203 = arith.extui %eq3A_202 : i1 to i32
      %cond3A_204 = arith.constant 0 : i32
      %cond3A_205 = arith.cmpi ne, %convert_element_type3A_203, %cond3A_204 : i32
      scf.if %cond3A_205 {
        %add3A_282 = arith.constant 4 : i32
        %add3A_283 = arith.addi %add3A_186, %add3A_282 : i32
        %sub3A_284 = arith.constant 1 : i32
        %sub3A_285 = arith.subi %add3A_283, %sub3A_284 : i32
        %mul3A_286 = arith.constant 5 : i32
        %mul3A_287 = arith.muli %sub3A_285, %mul3A_286 : i32
        %add3A_288 = arith.constant 0 : i32
        %add3A_289 = arith.addi %mul3A_287, %add3A_288 : i32
        %dma_start3A_290 = arith.constant 0 : i32
        %dma_start3A_291 = arith.constant 0 : i32
        %dma_start3A_292 = tpu.memref_slice %arg9[%dma_start3A_290, %dma_start3A_291] : memref<640x32xf32, #tpu.memory_space<vmem>> -> memref<128x32xf32, #tpu.memory_space<vmem>>
        %dma_start3A_293 = arith.constant 0 : i32
        %dma_start3A_294 = tpu.memref_slice %arg5[%add3A_289, %dma_start3A_293] : memref<200x128xi32, #tpu.memory_space<vmem>> -> memref<1x128xi32, #tpu.memory_space<vmem>>
        %dma_start3A_295 = tpu.memref_squeeze %dma_start3A_294 : memref<1x128xi32, #tpu.memory_space<vmem>> -> memref<128xi32, #tpu.memory_space<vmem>>
        %dma_start3A_296 = arith.constant 0 : i32
        %dma_start3A_297 = arith.constant 0 : i32
        %dma_start3A_298 = tpu.memref_slice %arg3[%dma_start3A_296, %dma_start3A_297] : memref<1004800x32xf32, #tpu.memory_space<hbm>> -> memref<1004800x32xf32, #tpu.memory_space<hbm>>
        tpu.enqueue_indirect_dma source(%dma_start3A_298 : memref<1004800x32xf32, #tpu.memory_space<hbm>>) target(%dma_start3A_292 : memref<128x32xf32, #tpu.memory_space<vmem>>) offsets(%dma_start3A_295 : memref<128xi32, #tpu.memory_space<vmem>>) semaphore(%arg13 : memref<!tpu.dma_semaphore, #tpu.memory_space<semaphore_mem>>)
        %add3A_299 = arith.constant 1 : i32
        %add3A_300 = arith.addi %mul3A_287, %add3A_299 : i32
        %dma_start3A_301 = arith.constant 128 : i32
        %dma_start3A_302 = arith.constant 0 : i32
        %dma_start3A_303 = tpu.memref_slice %arg9[%dma_start3A_301, %dma_start3A_302] : memref<640x32xf32, #tpu.memory_space<vmem>> -> memref<128x32xf32, #tpu.memory_space<vmem>>
        %dma_start3A_304 = arith.constant 0 : i32
        %dma_start3A_305 = tpu.memref_slice %arg5[%add3A_300, %dma_start3A_304] : memref<200x128xi32, #tpu.memory_space<vmem>> -> memref<1x128xi32, #tpu.memory_space<vmem>>
        %dma_start3A_306 = tpu.memref_squeeze %dma_start3A_305 : memref<1x128xi32, #tpu.memory_space<vmem>> -> memref<128xi32, #tpu.memory_space<vmem>>
        %dma_start3A_307 = arith.constant 0 : i32
        %dma_start3A_308 = arith.constant 0 : i32
        %dma_start3A_309 = tpu.memref_slice %arg3[%dma_start3A_307, %dma_start3A_308] : memref<1004800x32xf32, #tpu.memory_space<hbm>> -> memref<1004800x32xf32, #tpu.memory_space<hbm>>
        tpu.enqueue_indirect_dma source(%dma_start3A_309 : memref<1004800x32xf32, #tpu.memory_space<hbm>>) target(%dma_start3A_303 : memref<128x32xf32, #tpu.memory_space<vmem>>) offsets(%dma_start3A_306 : memref<128xi32, #tpu.memory_space<vmem>>) semaphore(%arg13 : memref<!tpu.dma_semaphore, #tpu.memory_space<semaphore_mem>>)
        %add3A_310 = arith.constant 2 : i32
        %add3A_311 = arith.addi %mul3A_287, %add3A_310 : i32
        %dma_start3A_312 = arith.constant 256 : i32
        %dma_start3A_313 = arith.constant 0 : i32
        %dma_start3A_314 = tpu.memref_slice %arg9[%dma_start3A_312, %dma_start3A_313] : memref<640x32xf32, #tpu.memory_space<vmem>> -> memref<128x32xf32, #tpu.memory_space<vmem>>
        %dma_start3A_315 = arith.constant 0 : i32
        %dma_start3A_316 = tpu.memref_slice %arg5[%add3A_311, %dma_start3A_315] : memref<200x128xi32, #tpu.memory_space<vmem>> -> memref<1x128xi32, #tpu.memory_space<vmem>>
        %dma_start3A_317 = tpu.memref_squeeze %dma_start3A_316 : memref<1x128xi32, #tpu.memory_space<vmem>> -> memref<128xi32, #tpu.memory_space<vmem>>
        %dma_start3A_318 = arith.constant 0 : i32
        %dma_start3A_319 = arith.constant 0 : i32
        %dma_start3A_320 = tpu.memref_slice %arg3[%dma_start3A_318, %dma_start3A_319] : memref<1004800x32xf32, #tpu.memory_space<hbm>> -> memref<1004800x32xf32, #tpu.memory_space<hbm>>
        tpu.enqueue_indirect_dma source(%dma_start3A_320 : memref<1004800x32xf32, #tpu.memory_space<hbm>>) target(%dma_start3A_314 : memref<128x32xf32, #tpu.memory_space<vmem>>) offsets(%dma_start3A_317 : memref<128xi32, #tpu.memory_space<vmem>>) semaphore(%arg13 : memref<!tpu.dma_semaphore, #tpu.memory_space<semaphore_mem>>)
        %add3A_321 = arith.constant 3 : i32
        %add3A_322 = arith.addi %mul3A_287, %add3A_321 : i32
        %dma_start3A_323 = arith.constant 384 : i32
        %dma_start3A_324 = arith.constant 0 : i32
        %dma_start3A_325 = tpu.memref_slice %arg9[%dma_start3A_323, %dma_start3A_324] : memref<640x32xf32, #tpu.memory_space<vmem>> -> memref<128x32xf32, #tpu.memory_space<vmem>>
        %dma_start3A_326 = arith.constant 0 : i32
        %dma_start3A_327 = tpu.memref_slice %arg5[%add3A_322, %dma_start3A_326] : memref<200x128xi32, #tpu.memory_space<vmem>> -> memref<1x128xi32, #tpu.memory_space<vmem>>
        %dma_start3A_328 = tpu.memref_squeeze %dma_start3A_327 : memref<1x128xi32, #tpu.memory_space<vmem>> -> memref<128xi32, #tpu.memory_space<vmem>>
        %dma_start3A_329 = arith.constant 0 : i32
        %dma_start3A_330 = arith.constant 0 : i32
        %dma_start3A_331 = tpu.memref_slice %arg3[%dma_start3A_329, %dma_start3A_330] : memref<1004800x32xf32, #tpu.memory_space<hbm>> -> memref<1004800x32xf32, #tpu.memory_space<hbm>>
        tpu.enqueue_indirect_dma source(%dma_start3A_331 : memref<1004800x32xf32, #tpu.memory_space<hbm>>) target(%dma_start3A_325 : memref<128x32xf32, #tpu.memory_space<vmem>>) offsets(%dma_start3A_328 : memref<128xi32, #tpu.memory_space<vmem>>) semaphore(%arg13 : memref<!tpu.dma_semaphore, #tpu.memory_space<semaphore_mem>>)
        %add3A_332 = arith.constant 4 : i32
        %add3A_333 = arith.addi %mul3A_287, %add3A_332 : i32
        %dma_start3A_334 = arith.constant 512 : i32
        %dma_start3A_335 = arith.constant 0 : i32
        %dma_start3A_336 = tpu.memref_slice %arg9[%dma_start3A_334, %dma_start3A_335] : memref<640x32xf32, #tpu.memory_space<vmem>> -> memref<128x32xf32, #tpu.memory_space<vmem>>
        %dma_start3A_337 = arith.constant 0 : i32
        %dma_start3A_338 = tpu.memref_slice %arg5[%add3A_333, %dma_start3A_337] : memref<200x128xi32, #tpu.memory_space<vmem>> -> memref<1x128xi32, #tpu.memory_space<vmem>>
        %dma_start3A_339 = tpu.memref_squeeze %dma_start3A_338 : memref<1x128xi32, #tpu.memory_space<vmem>> -> memref<128xi32, #tpu.memory_space<vmem>>
        %dma_start3A_340 = arith.constant 0 : i32
        %dma_start3A_341 = arith.constant 0 : i32
        %dma_start3A_342 = tpu.memref_slice %arg3[%dma_start3A_340, %dma_start3A_341] : memref<1004800x32xf32, #tpu.memory_space<hbm>> -> memref<1004800x32xf32, #tpu.memory_space<hbm>>
        tpu.enqueue_indirect_dma source(%dma_start3A_342 : memref<1004800x32xf32, #tpu.memory_space<hbm>>) target(%dma_start3A_336 : memref<128x32xf32, #tpu.memory_space<vmem>>) offsets(%dma_start3A_339 : memref<128xi32, #tpu.memory_space<vmem>>) semaphore(%arg13 : memref<!tpu.dma_semaphore, #tpu.memory_space<semaphore_mem>>)
      } else {
      }
      %mul3A_206 = arith.constant 4 : i32
      %mul3A_207 = arith.muli %mul3A_206, %scan3A_182 : i32
      %add3A_208 = arith.constant 1 : i32
      %add3A_209 = arith.addi %mul3A_207, %add3A_208 : i32
      %dma_wait3A_210 = arith.constant 0 : i32
      %dma_wait3A_211 = arith.constant 0 : i32
      %dma_wait3A_212 = tpu.memref_slice %arg4[%dma_wait3A_210, %dma_wait3A_211] : memref<819200x32xf32, #tpu.memory_space<hbm>> -> memref<640x32xf32, #tpu.memory_space<hbm>>
      %dma_wait3A_213 = arith.constant 0 : i32
      %dma_wait3A_214 = arith.constant 0 : i32
      %dma_wait3A_215 = tpu.memref_slice %arg4[%dma_wait3A_213, %dma_wait3A_214] : memref<819200x32xf32, #tpu.memory_space<hbm>> -> memref<640x32xf32, #tpu.memory_space<hbm>>
      tpu.wait_dma2 semaphore(%arg11 : memref<!tpu.dma_semaphore, #tpu.memory_space<semaphore_mem>>) src(%dma_wait3A_215 : memref<640x32xf32, #tpu.memory_space<hbm>>) dst(%arg7 : memref<640x32xf32, #tpu.memory_space<vmem>>)
      %mul3A_216 = arith.constant 640 : i32
      %mul3A_217 = arith.muli %add3A_209, %mul3A_216 : i32
      %add3A_218 = arith.addi %mul3A_2, %mul3A_217 : i32
      %dma_start3A_219 = arith.constant 0 : i32
      %dma_start3A_220 = tpu.memref_slice %arg4[%add3A_218, %dma_start3A_219] : memref<819200x32xf32, #tpu.memory_space<hbm>> -> memref<640x32xf32, #tpu.memory_space<hbm>>
      %dma_start3A_221 = arith.constant 0 : i32
      %dma_start3A_222 = tpu.memref_slice %arg4[%add3A_218, %dma_start3A_221] : memref<819200x32xf32, #tpu.memory_space<hbm>> -> memref<640x32xf32, #tpu.memory_space<hbm>>
      tpu.enqueue_dma source(%arg7 : memref<640x32xf32, #tpu.memory_space<vmem>>) target(%dma_start3A_222 : memref<640x32xf32, #tpu.memory_space<hbm>>) target_semaphore(%arg15 : memref<!tpu.dma_semaphore, #tpu.memory_space<semaphore_mem>>)
      %add3A_223 = arith.constant 4 : i32
      %add3A_224 = arith.addi %add3A_209, %add3A_223 : i32
      %sub3A = arith.constant 1 : i32
      %sub3A_225 = arith.subi %add3A_224, %sub3A : i32
      %lt3A = arith.constant 40 : i32
      %lt3A_226 = arith.cmpi slt, %sub3A_225, %lt3A : i32
      %convert_element_type3A_227 = arith.extui %lt3A_226 : i1 to i32
      %cond3A_228 = arith.constant 0 : i32
      %cond3A_229 = arith.cmpi ne, %convert_element_type3A_227, %cond3A_228 : i32
      scf.if %cond3A_229 {
        %dma_wait3A_282 = arith.constant 0 : i32
        %dma_wait3A_283 = arith.constant 0 : i32
        %dma_wait3A_284 = tpu.memref_slice %arg4[%dma_wait3A_282, %dma_wait3A_283] : memref<819200x32xf32, #tpu.memory_space<hbm>> -> memref<640x32xf32, #tpu.memory_space<hbm>>
        %dma_wait3A_285 = arith.constant 0 : i32
        %dma_wait3A_286 = arith.constant 0 : i32
        %dma_wait3A_287 = tpu.memref_slice %arg4[%dma_wait3A_285, %dma_wait3A_286] : memref<819200x32xf32, #tpu.memory_space<hbm>> -> memref<640x32xf32, #tpu.memory_space<hbm>>
        tpu.wait_dma2 semaphore(%arg14 : memref<!tpu.dma_semaphore, #tpu.memory_space<semaphore_mem>>) src(%arg6 : memref<640x32xf32, #tpu.memory_space<vmem>>) dst(%dma_wait3A_287 : memref<640x32xf32, #tpu.memory_space<hbm>>)
        %add3A_288 = arith.constant 4 : i32
        %add3A_289 = arith.addi %add3A_209, %add3A_288 : i32
        %sub3A_290 = arith.constant 1 : i32
        %sub3A_291 = arith.subi %add3A_289, %sub3A_290 : i32
        %mul3A_292 = arith.constant 5 : i32
        %mul3A_293 = arith.muli %sub3A_291, %mul3A_292 : i32
        %add3A_294 = arith.constant 0 : i32
        %add3A_295 = arith.addi %mul3A_293, %add3A_294 : i32
        %dma_start3A_296 = arith.constant 0 : i32
        %dma_start3A_297 = arith.constant 0 : i32
        %dma_start3A_298 = tpu.memref_slice %arg6[%dma_start3A_296, %dma_start3A_297] : memref<640x32xf32, #tpu.memory_space<vmem>> -> memref<128x32xf32, #tpu.memory_space<vmem>>
        %dma_start3A_299 = arith.constant 0 : i32
        %dma_start3A_300 = tpu.memref_slice %arg5[%add3A_295, %dma_start3A_299] : memref<200x128xi32, #tpu.memory_space<vmem>> -> memref<1x128xi32, #tpu.memory_space<vmem>>
        %dma_start3A_301 = tpu.memref_squeeze %dma_start3A_300 : memref<1x128xi32, #tpu.memory_space<vmem>> -> memref<128xi32, #tpu.memory_space<vmem>>
        %dma_start3A_302 = arith.constant 0 : i32
        %dma_start3A_303 = arith.constant 0 : i32
        %dma_start3A_304 = tpu.memref_slice %arg3[%dma_start3A_302, %dma_start3A_303] : memref<1004800x32xf32, #tpu.memory_space<hbm>> -> memref<1004800x32xf32, #tpu.memory_space<hbm>>
        tpu.enqueue_indirect_dma source(%dma_start3A_304 : memref<1004800x32xf32, #tpu.memory_space<hbm>>) target(%dma_start3A_298 : memref<128x32xf32, #tpu.memory_space<vmem>>) offsets(%dma_start3A_301 : memref<128xi32, #tpu.memory_space<vmem>>) semaphore(%arg10 : memref<!tpu.dma_semaphore, #tpu.memory_space<semaphore_mem>>)
        %add3A_305 = arith.constant 1 : i32
        %add3A_306 = arith.addi %mul3A_293, %add3A_305 : i32
        %dma_start3A_307 = arith.constant 128 : i32
        %dma_start3A_308 = arith.constant 0 : i32
        %dma_start3A_309 = tpu.memref_slice %arg6[%dma_start3A_307, %dma_start3A_308] : memref<640x32xf32, #tpu.memory_space<vmem>> -> memref<128x32xf32, #tpu.memory_space<vmem>>
        %dma_start3A_310 = arith.constant 0 : i32
        %dma_start3A_311 = tpu.memref_slice %arg5[%add3A_306, %dma_start3A_310] : memref<200x128xi32, #tpu.memory_space<vmem>> -> memref<1x128xi32, #tpu.memory_space<vmem>>
        %dma_start3A_312 = tpu.memref_squeeze %dma_start3A_311 : memref<1x128xi32, #tpu.memory_space<vmem>> -> memref<128xi32, #tpu.memory_space<vmem>>
        %dma_start3A_313 = arith.constant 0 : i32
        %dma_start3A_314 = arith.constant 0 : i32
        %dma_start3A_315 = tpu.memref_slice %arg3[%dma_start3A_313, %dma_start3A_314] : memref<1004800x32xf32, #tpu.memory_space<hbm>> -> memref<1004800x32xf32, #tpu.memory_space<hbm>>
        tpu.enqueue_indirect_dma source(%dma_start3A_315 : memref<1004800x32xf32, #tpu.memory_space<hbm>>) target(%dma_start3A_309 : memref<128x32xf32, #tpu.memory_space<vmem>>) offsets(%dma_start3A_312 : memref<128xi32, #tpu.memory_space<vmem>>) semaphore(%arg10 : memref<!tpu.dma_semaphore, #tpu.memory_space<semaphore_mem>>)
        %add3A_316 = arith.constant 2 : i32
        %add3A_317 = arith.addi %mul3A_293, %add3A_316 : i32
        %dma_start3A_318 = arith.constant 256 : i32
        %dma_start3A_319 = arith.constant 0 : i32
        %dma_start3A_320 = tpu.memref_slice %arg6[%dma_start3A_318, %dma_start3A_319] : memref<640x32xf32, #tpu.memory_space<vmem>> -> memref<128x32xf32, #tpu.memory_space<vmem>>
        %dma_start3A_321 = arith.constant 0 : i32
        %dma_start3A_322 = tpu.memref_slice %arg5[%add3A_317, %dma_start3A_321] : memref<200x128xi32, #tpu.memory_space<vmem>> -> memref<1x128xi32, #tpu.memory_space<vmem>>
        %dma_start3A_323 = tpu.memref_squeeze %dma_start3A_322 : memref<1x128xi32, #tpu.memory_space<vmem>> -> memref<128xi32, #tpu.memory_space<vmem>>
        %dma_start3A_324 = arith.constant 0 : i32
        %dma_start3A_325 = arith.constant 0 : i32
        %dma_start3A_326 = tpu.memref_slice %arg3[%dma_start3A_324, %dma_start3A_325] : memref<1004800x32xf32, #tpu.memory_space<hbm>> -> memref<1004800x32xf32, #tpu.memory_space<hbm>>
        tpu.enqueue_indirect_dma source(%dma_start3A_326 : memref<1004800x32xf32, #tpu.memory_space<hbm>>) target(%dma_start3A_320 : memref<128x32xf32, #tpu.memory_space<vmem>>) offsets(%dma_start3A_323 : memref<128xi32, #tpu.memory_space<vmem>>) semaphore(%arg10 : memref<!tpu.dma_semaphore, #tpu.memory_space<semaphore_mem>>)
        %add3A_327 = arith.constant 3 : i32
        %add3A_328 = arith.addi %mul3A_293, %add3A_327 : i32
        %dma_start3A_329 = arith.constant 384 : i32
        %dma_start3A_330 = arith.constant 0 : i32
        %dma_start3A_331 = tpu.memref_slice %arg6[%dma_start3A_329, %dma_start3A_330] : memref<640x32xf32, #tpu.memory_space<vmem>> -> memref<128x32xf32, #tpu.memory_space<vmem>>
        %dma_start3A_332 = arith.constant 0 : i32
        %dma_start3A_333 = tpu.memref_slice %arg5[%add3A_328, %dma_start3A_332] : memref<200x128xi32, #tpu.memory_space<vmem>> -> memref<1x128xi32, #tpu.memory_space<vmem>>
        %dma_start3A_334 = tpu.memref_squeeze %dma_start3A_333 : memref<1x128xi32, #tpu.memory_space<vmem>> -> memref<128xi32, #tpu.memory_space<vmem>>
        %dma_start3A_335 = arith.constant 0 : i32
        %dma_start3A_336 = arith.constant 0 : i32
        %dma_start3A_337 = tpu.memref_slice %arg3[%dma_start3A_335, %dma_start3A_336] : memref<1004800x32xf32, #tpu.memory_space<hbm>> -> memref<1004800x32xf32, #tpu.memory_space<hbm>>
        tpu.enqueue_indirect_dma source(%dma_start3A_337 : memref<1004800x32xf32, #tpu.memory_space<hbm>>) target(%dma_start3A_331 : memref<128x32xf32, #tpu.memory_space<vmem>>) offsets(%dma_start3A_334 : memref<128xi32, #tpu.memory_space<vmem>>) semaphore(%arg10 : memref<!tpu.dma_semaphore, #tpu.memory_space<semaphore_mem>>)
        %add3A_338 = arith.constant 4 : i32
        %add3A_339 = arith.addi %mul3A_293, %add3A_338 : i32
        %dma_start3A_340 = arith.constant 512 : i32
        %dma_start3A_341 = arith.constant 0 : i32
        %dma_start3A_342 = tpu.memref_slice %arg6[%dma_start3A_340, %dma_start3A_341] : memref<640x32xf32, #tpu.memory_space<vmem>> -> memref<128x32xf32, #tpu.memory_space<vmem>>
        %dma_start3A_343 = arith.constant 0 : i32
        %dma_start3A_344 = tpu.memref_slice %arg5[%add3A_339, %dma_start3A_343] : memref<200x128xi32, #tpu.memory_space<vmem>> -> memref<1x128xi32, #tpu.memory_space<vmem>>
        %dma_start3A_345 = tpu.memref_squeeze %dma_start3A_344 : memref<1x128xi32, #tpu.memory_space<vmem>> -> memref<128xi32, #tpu.memory_space<vmem>>
        %dma_start3A_346 = arith.constant 0 : i32
        %dma_start3A_347 = arith.constant 0 : i32
        %dma_start3A_348 = tpu.memref_slice %arg3[%dma_start3A_346, %dma_start3A_347] : memref<1004800x32xf32, #tpu.memory_space<hbm>> -> memref<1004800x32xf32, #tpu.memory_space<hbm>>
        tpu.enqueue_indirect_dma source(%dma_start3A_348 : memref<1004800x32xf32, #tpu.memory_space<hbm>>) target(%dma_start3A_342 : memref<128x32xf32, #tpu.memory_space<vmem>>) offsets(%dma_start3A_345 : memref<128xi32, #tpu.memory_space<vmem>>) semaphore(%arg10 : memref<!tpu.dma_semaphore, #tpu.memory_space<semaphore_mem>>)
      } else {
      }
      %mul3A_230 = arith.constant 4 : i32
      %mul3A_231 = arith.muli %mul3A_230, %scan3A_182 : i32
      %add3A_232 = arith.constant 2 : i32
      %add3A_233 = arith.addi %mul3A_231, %add3A_232 : i32
      %dma_wait3A_234 = arith.constant 0 : i32
      %dma_wait3A_235 = arith.constant 0 : i32
      %dma_wait3A_236 = tpu.memref_slice %arg4[%dma_wait3A_234, %dma_wait3A_235] : memref<819200x32xf32, #tpu.memory_space<hbm>> -> memref<640x32xf32, #tpu.memory_space<hbm>>
      %dma_wait3A_237 = arith.constant 0 : i32
      %dma_wait3A_238 = arith.constant 0 : i32
      %dma_wait3A_239 = tpu.memref_slice %arg4[%dma_wait3A_237, %dma_wait3A_238] : memref<819200x32xf32, #tpu.memory_space<hbm>> -> memref<640x32xf32, #tpu.memory_space<hbm>>
      tpu.wait_dma2 semaphore(%arg12 : memref<!tpu.dma_semaphore, #tpu.memory_space<semaphore_mem>>) src(%dma_wait3A_239 : memref<640x32xf32, #tpu.memory_space<hbm>>) dst(%arg8 : memref<640x32xf32, #tpu.memory_space<vmem>>)
      %mul3A_240 = arith.constant 640 : i32
      %mul3A_241 = arith.muli %add3A_233, %mul3A_240 : i32
      %add3A_242 = arith.addi %mul3A_2, %mul3A_241 : i32
      %dma_start3A_243 = arith.constant 0 : i32
      %dma_start3A_244 = tpu.memref_slice %arg4[%add3A_242, %dma_start3A_243] : memref<819200x32xf32, #tpu.memory_space<hbm>> -> memref<640x32xf32, #tpu.memory_space<hbm>>
      %dma_start3A_245 = arith.constant 0 : i32
      %dma_start3A_246 = tpu.memref_slice %arg4[%add3A_242, %dma_start3A_245] : memref<819200x32xf32, #tpu.memory_space<hbm>> -> memref<640x32xf32, #tpu.memory_space<hbm>>
      tpu.enqueue_dma source(%arg8 : memref<640x32xf32, #tpu.memory_space<vmem>>) target(%dma_start3A_246 : memref<640x32xf32, #tpu.memory_space<hbm>>) target_semaphore(%arg16 : memref<!tpu.dma_semaphore, #tpu.memory_space<semaphore_mem>>)
      %add3A_247 = arith.constant 4 : i32
      %add3A_248 = arith.addi %add3A_233, %add3A_247 : i32
      %sub3A_249 = arith.constant 1 : i32
      %sub3A_250 = arith.subi %add3A_248, %sub3A_249 : i32
      %lt3A_251 = arith.constant 40 : i32
      %lt3A_252 = arith.cmpi slt, %sub3A_250, %lt3A_251 : i32
      %convert_element_type3A_253 = arith.extui %lt3A_252 : i1 to i32
      %cond3A_254 = arith.constant 0 : i32
      %cond3A_255 = arith.cmpi ne, %convert_element_type3A_253, %cond3A_254 : i32
      scf.if %cond3A_255 {
        %dma_wait3A_282 = arith.constant 0 : i32
        %dma_wait3A_283 = arith.constant 0 : i32
        %dma_wait3A_284 = tpu.memref_slice %arg4[%dma_wait3A_282, %dma_wait3A_283] : memref<819200x32xf32, #tpu.memory_space<hbm>> -> memref<640x32xf32, #tpu.memory_space<hbm>>
        %dma_wait3A_285 = arith.constant 0 : i32
        %dma_wait3A_286 = arith.constant 0 : i32
        %dma_wait3A_287 = tpu.memref_slice %arg4[%dma_wait3A_285, %dma_wait3A_286] : memref<819200x32xf32, #tpu.memory_space<hbm>> -> memref<640x32xf32, #tpu.memory_space<hbm>>
        tpu.wait_dma2 semaphore(%arg15 : memref<!tpu.dma_semaphore, #tpu.memory_space<semaphore_mem>>) src(%arg7 : memref<640x32xf32, #tpu.memory_space<vmem>>) dst(%dma_wait3A_287 : memref<640x32xf32, #tpu.memory_space<hbm>>)
        %add3A_288 = arith.constant 4 : i32
        %add3A_289 = arith.addi %add3A_233, %add3A_288 : i32
        %sub3A_290 = arith.constant 1 : i32
        %sub3A_291 = arith.subi %add3A_289, %sub3A_290 : i32
        %mul3A_292 = arith.constant 5 : i32
        %mul3A_293 = arith.muli %sub3A_291, %mul3A_292 : i32
        %add3A_294 = arith.constant 0 : i32
        %add3A_295 = arith.addi %mul3A_293, %add3A_294 : i32
        %dma_start3A_296 = arith.constant 0 : i32
        %dma_start3A_297 = arith.constant 0 : i32
        %dma_start3A_298 = tpu.memref_slice %arg7[%dma_start3A_296, %dma_start3A_297] : memref<640x32xf32, #tpu.memory_space<vmem>> -> memref<128x32xf32, #tpu.memory_space<vmem>>
        %dma_start3A_299 = arith.constant 0 : i32
        %dma_start3A_300 = tpu.memref_slice %arg5[%add3A_295, %dma_start3A_299] : memref<200x128xi32, #tpu.memory_space<vmem>> -> memref<1x128xi32, #tpu.memory_space<vmem>>
        %dma_start3A_301 = tpu.memref_squeeze %dma_start3A_300 : memref<1x128xi32, #tpu.memory_space<vmem>> -> memref<128xi32, #tpu.memory_space<vmem>>
        %dma_start3A_302 = arith.constant 0 : i32
        %dma_start3A_303 = arith.constant 0 : i32
        %dma_start3A_304 = tpu.memref_slice %arg3[%dma_start3A_302, %dma_start3A_303] : memref<1004800x32xf32, #tpu.memory_space<hbm>> -> memref<1004800x32xf32, #tpu.memory_space<hbm>>
        tpu.enqueue_indirect_dma source(%dma_start3A_304 : memref<1004800x32xf32, #tpu.memory_space<hbm>>) target(%dma_start3A_298 : memref<128x32xf32, #tpu.memory_space<vmem>>) offsets(%dma_start3A_301 : memref<128xi32, #tpu.memory_space<vmem>>) semaphore(%arg11 : memref<!tpu.dma_semaphore, #tpu.memory_space<semaphore_mem>>)
        %add3A_305 = arith.constant 1 : i32
        %add3A_306 = arith.addi %mul3A_293, %add3A_305 : i32
        %dma_start3A_307 = arith.constant 128 : i32
        %dma_start3A_308 = arith.constant 0 : i32
        %dma_start3A_309 = tpu.memref_slice %arg7[%dma_start3A_307, %dma_start3A_308] : memref<640x32xf32, #tpu.memory_space<vmem>> -> memref<128x32xf32, #tpu.memory_space<vmem>>
        %dma_start3A_310 = arith.constant 0 : i32
        %dma_start3A_311 = tpu.memref_slice %arg5[%add3A_306, %dma_start3A_310] : memref<200x128xi32, #tpu.memory_space<vmem>> -> memref<1x128xi32, #tpu.memory_space<vmem>>
        %dma_start3A_312 = tpu.memref_squeeze %dma_start3A_311 : memref<1x128xi32, #tpu.memory_space<vmem>> -> memref<128xi32, #tpu.memory_space<vmem>>
        %dma_start3A_313 = arith.constant 0 : i32
        %dma_start3A_314 = arith.constant 0 : i32
        %dma_start3A_315 = tpu.memref_slice %arg3[%dma_start3A_313, %dma_start3A_314] : memref<1004800x32xf32, #tpu.memory_space<hbm>> -> memref<1004800x32xf32, #tpu.memory_space<hbm>>
        tpu.enqueue_indirect_dma source(%dma_start3A_315 : memref<1004800x32xf32, #tpu.memory_space<hbm>>) target(%dma_start3A_309 : memref<128x32xf32, #tpu.memory_space<vmem>>) offsets(%dma_start3A_312 : memref<128xi32, #tpu.memory_space<vmem>>) semaphore(%arg11 : memref<!tpu.dma_semaphore, #tpu.memory_space<semaphore_mem>>)
        %add3A_316 = arith.constant 2 : i32
        %add3A_317 = arith.addi %mul3A_293, %add3A_316 : i32
        %dma_start3A_318 = arith.constant 256 : i32
        %dma_start3A_319 = arith.constant 0 : i32
        %dma_start3A_320 = tpu.memref_slice %arg7[%dma_start3A_318, %dma_start3A_319] : memref<640x32xf32, #tpu.memory_space<vmem>> -> memref<128x32xf32, #tpu.memory_space<vmem>>
        %dma_start3A_321 = arith.constant 0 : i32
        %dma_start3A_322 = tpu.memref_slice %arg5[%add3A_317, %dma_start3A_321] : memref<200x128xi32, #tpu.memory_space<vmem>> -> memref<1x128xi32, #tpu.memory_space<vmem>>
        %dma_start3A_323 = tpu.memref_squeeze %dma_start3A_322 : memref<1x128xi32, #tpu.memory_space<vmem>> -> memref<128xi32, #tpu.memory_space<vmem>>
        %dma_start3A_324 = arith.constant 0 : i32
        %dma_start3A_325 = arith.constant 0 : i32
        %dma_start3A_326 = tpu.memref_slice %arg3[%dma_start3A_324, %dma_start3A_325] : memref<1004800x32xf32, #tpu.memory_space<hbm>> -> memref<1004800x32xf32, #tpu.memory_space<hbm>>
        tpu.enqueue_indirect_dma source(%dma_start3A_326 : memref<1004800x32xf32, #tpu.memory_space<hbm>>) target(%dma_start3A_320 : memref<128x32xf32, #tpu.memory_space<vmem>>) offsets(%dma_start3A_323 : memref<128xi32, #tpu.memory_space<vmem>>) semaphore(%arg11 : memref<!tpu.dma_semaphore, #tpu.memory_space<semaphore_mem>>)
        %add3A_327 = arith.constant 3 : i32
        %add3A_328 = arith.addi %mul3A_293, %add3A_327 : i32
        %dma_start3A_329 = arith.constant 384 : i32
        %dma_start3A_330 = arith.constant 0 : i32
        %dma_start3A_331 = tpu.memref_slice %arg7[%dma_start3A_329, %dma_start3A_330] : memref<640x32xf32, #tpu.memory_space<vmem>> -> memref<128x32xf32, #tpu.memory_space<vmem>>
        %dma_start3A_332 = arith.constant 0 : i32
        %dma_start3A_333 = tpu.memref_slice %arg5[%add3A_328, %dma_start3A_332] : memref<200x128xi32, #tpu.memory_space<vmem>> -> memref<1x128xi32, #tpu.memory_space<vmem>>
        %dma_start3A_334 = tpu.memref_squeeze %dma_start3A_333 : memref<1x128xi32, #tpu.memory_space<vmem>> -> memref<128xi32, #tpu.memory_space<vmem>>
        %dma_start3A_335 = arith.constant 0 : i32
        %dma_start3A_336 = arith.constant 0 : i32
        %dma_start3A_337 = tpu.memref_slice %arg3[%dma_start3A_335, %dma_start3A_336] : memref<1004800x32xf32, #tpu.memory_space<hbm>> -> memref<1004800x32xf32, #tpu.memory_space<hbm>>
        tpu.enqueue_indirect_dma source(%dma_start3A_337 : memref<1004800x32xf32, #tpu.memory_space<hbm>>) target(%dma_start3A_331 : memref<128x32xf32, #tpu.memory_space<vmem>>) offsets(%dma_start3A_334 : memref<128xi32, #tpu.memory_space<vmem>>) semaphore(%arg11 : memref<!tpu.dma_semaphore, #tpu.memory_space<semaphore_mem>>)
        %add3A_338 = arith.constant 4 : i32
        %add3A_339 = arith.addi %mul3A_293, %add3A_338 : i32
        %dma_start3A_340 = arith.constant 512 : i32
        %dma_start3A_341 = arith.constant 0 : i32
        %dma_start3A_342 = tpu.memref_slice %arg7[%dma_start3A_340, %dma_start3A_341] : memref<640x32xf32, #tpu.memory_space<vmem>> -> memref<128x32xf32, #tpu.memory_space<vmem>>
        %dma_start3A_343 = arith.constant 0 : i32
        %dma_start3A_344 = tpu.memref_slice %arg5[%add3A_339, %dma_start3A_343] : memref<200x128xi32, #tpu.memory_space<vmem>> -> memref<1x128xi32, #tpu.memory_space<vmem>>
        %dma_start3A_345 = tpu.memref_squeeze %dma_start3A_344 : memref<1x128xi32, #tpu.memory_space<vmem>> -> memref<128xi32, #tpu.memory_space<vmem>>
        %dma_start3A_346 = arith.constant 0 : i32
        %dma_start3A_347 = arith.constant 0 : i32
        %dma_start3A_348 = tpu.memref_slice %arg3[%dma_start3A_346, %dma_start3A_347] : memref<1004800x32xf32, #tpu.memory_space<hbm>> -> memref<1004800x32xf32, #tpu.memory_space<hbm>>
        tpu.enqueue_indirect_dma source(%dma_start3A_348 : memref<1004800x32xf32, #tpu.memory_space<hbm>>) target(%dma_start3A_342 : memref<128x32xf32, #tpu.memory_space<vmem>>) offsets(%dma_start3A_345 : memref<128xi32, #tpu.memory_space<vmem>>) semaphore(%arg11 : memref<!tpu.dma_semaphore, #tpu.memory_space<semaphore_mem>>)
      } else {
      }
      %mul3A_256 = arith.constant 4 : i32
      %mul3A_257 = arith.muli %mul3A_256, %scan3A_182 : i32
      %add3A_258 = arith.constant 3 : i32
      %add3A_259 = arith.addi %mul3A_257, %add3A_258 : i32
      %dma_wait3A_260 = arith.constant 0 : i32
      %dma_wait3A_261 = arith.constant 0 : i32
      %dma_wait3A_262 = tpu.memref_slice %arg4[%dma_wait3A_260, %dma_wait3A_261] : memref<819200x32xf32, #tpu.memory_space<hbm>> -> memref<640x32xf32, #tpu.memory_space<hbm>>
      %dma_wait3A_263 = arith.constant 0 : i32
      %dma_wait3A_264 = arith.constant 0 : i32
      %dma_wait3A_265 = tpu.memref_slice %arg4[%dma_wait3A_263, %dma_wait3A_264] : memref<819200x32xf32, #tpu.memory_space<hbm>> -> memref<640x32xf32, #tpu.memory_space<hbm>>
      tpu.wait_dma2 semaphore(%arg13 : memref<!tpu.dma_semaphore, #tpu.memory_space<semaphore_mem>>) src(%dma_wait3A_265 : memref<640x32xf32, #tpu.memory_space<hbm>>) dst(%arg9 : memref<640x32xf32, #tpu.memory_space<vmem>>)
      %mul3A_266 = arith.constant 640 : i32
      %mul3A_267 = arith.muli %add3A_259, %mul3A_266 : i32
      %add3A_268 = arith.addi %mul3A_2, %mul3A_267 : i32
      %dma_start3A_269 = arith.constant 0 : i32
      %dma_start3A_270 = tpu.memref_slice %arg4[%add3A_268, %dma_start3A_269] : memref<819200x32xf32, #tpu.memory_space<hbm>> -> memref<640x32xf32, #tpu.memory_space<hbm>>
      %dma_start3A_271 = arith.constant 0 : i32
      %dma_start3A_272 = tpu.memref_slice %arg4[%add3A_268, %dma_start3A_271] : memref<819200x32xf32, #tpu.memory_space<hbm>> -> memref<640x32xf32, #tpu.memory_space<hbm>>
      tpu.enqueue_dma source(%arg9 : memref<640x32xf32, #tpu.memory_space<vmem>>) target(%dma_start3A_272 : memref<640x32xf32, #tpu.memory_space<hbm>>) target_semaphore(%arg17 : memref<!tpu.dma_semaphore, #tpu.memory_space<semaphore_mem>>)
      %add3A_273 = arith.constant 4 : i32
      %add3A_274 = arith.addi %add3A_259, %add3A_273 : i32
      %sub3A_275 = arith.constant 1 : i32
      %sub3A_276 = arith.subi %add3A_274, %sub3A_275 : i32
      %lt3A_277 = arith.constant 40 : i32
      %lt3A_278 = arith.cmpi slt, %sub3A_276, %lt3A_277 : i32
      %convert_element_type3A_279 = arith.extui %lt3A_278 : i1 to i32
      %cond3A_280 = arith.constant 0 : i32
      %cond3A_281 = arith.cmpi ne, %convert_element_type3A_279, %cond3A_280 : i32
      scf.if %cond3A_281 {
        %dma_wait3A_282 = arith.constant 0 : i32
        %dma_wait3A_283 = arith.constant 0 : i32
        %dma_wait3A_284 = tpu.memref_slice %arg4[%dma_wait3A_282, %dma_wait3A_283] : memref<819200x32xf32, #tpu.memory_space<hbm>> -> memref<640x32xf32, #tpu.memory_space<hbm>>
        %dma_wait3A_285 = arith.constant 0 : i32
        %dma_wait3A_286 = arith.constant 0 : i32
        %dma_wait3A_287 = tpu.memref_slice %arg4[%dma_wait3A_285, %dma_wait3A_286] : memref<819200x32xf32, #tpu.memory_space<hbm>> -> memref<640x32xf32, #tpu.memory_space<hbm>>
        tpu.wait_dma2 semaphore(%arg16 : memref<!tpu.dma_semaphore, #tpu.memory_space<semaphore_mem>>) src(%arg8 : memref<640x32xf32, #tpu.memory_space<vmem>>) dst(%dma_wait3A_287 : memref<640x32xf32, #tpu.memory_space<hbm>>)
        %add3A_288 = arith.constant 4 : i32
        %add3A_289 = arith.addi %add3A_259, %add3A_288 : i32
        %sub3A_290 = arith.constant 1 : i32
        %sub3A_291 = arith.subi %add3A_289, %sub3A_290 : i32
        %mul3A_292 = arith.constant 5 : i32
        %mul3A_293 = arith.muli %sub3A_291, %mul3A_292 : i32
        %add3A_294 = arith.constant 0 : i32
        %add3A_295 = arith.addi %mul3A_293, %add3A_294 : i32
        %dma_start3A_296 = arith.constant 0 : i32
        %dma_start3A_297 = arith.constant 0 : i32
        %dma_start3A_298 = tpu.memref_slice %arg8[%dma_start3A_296, %dma_start3A_297] : memref<640x32xf32, #tpu.memory_space<vmem>> -> memref<128x32xf32, #tpu.memory_space<vmem>>
        %dma_start3A_299 = arith.constant 0 : i32
        %dma_start3A_300 = tpu.memref_slice %arg5[%add3A_295, %dma_start3A_299] : memref<200x128xi32, #tpu.memory_space<vmem>> -> memref<1x128xi32, #tpu.memory_space<vmem>>
        %dma_start3A_301 = tpu.memref_squeeze %dma_start3A_300 : memref<1x128xi32, #tpu.memory_space<vmem>> -> memref<128xi32, #tpu.memory_space<vmem>>
        %dma_start3A_302 = arith.constant 0 : i32
        %dma_start3A_303 = arith.constant 0 : i32
        %dma_start3A_304 = tpu.memref_slice %arg3[%dma_start3A_302, %dma_start3A_303] : memref<1004800x32xf32, #tpu.memory_space<hbm>> -> memref<1004800x32xf32, #tpu.memory_space<hbm>>
        tpu.enqueue_indirect_dma source(%dma_start3A_304 : memref<1004800x32xf32, #tpu.memory_space<hbm>>) target(%dma_start3A_298 : memref<128x32xf32, #tpu.memory_space<vmem>>) offsets(%dma_start3A_301 : memref<128xi32, #tpu.memory_space<vmem>>) semaphore(%arg12 : memref<!tpu.dma_semaphore, #tpu.memory_space<semaphore_mem>>)
        %add3A_305 = arith.constant 1 : i32
        %add3A_306 = arith.addi %mul3A_293, %add3A_305 : i32
        %dma_start3A_307 = arith.constant 128 : i32
        %dma_start3A_308 = arith.constant 0 : i32
        %dma_start3A_309 = tpu.memref_slice %arg8[%dma_start3A_307, %dma_start3A_308] : memref<640x32xf32, #tpu.memory_space<vmem>> -> memref<128x32xf32, #tpu.memory_space<vmem>>
        %dma_start3A_310 = arith.constant 0 : i32
        %dma_start3A_311 = tpu.memref_slice %arg5[%add3A_306, %dma_start3A_310] : memref<200x128xi32, #tpu.memory_space<vmem>> -> memref<1x128xi32, #tpu.memory_space<vmem>>
        %dma_start3A_312 = tpu.memref_squeeze %dma_start3A_311 : memref<1x128xi32, #tpu.memory_space<vmem>> -> memref<128xi32, #tpu.memory_space<vmem>>
        %dma_start3A_313 = arith.constant 0 : i32
        %dma_start3A_314 = arith.constant 0 : i32
        %dma_start3A_315 = tpu.memref_slice %arg3[%dma_start3A_313, %dma_start3A_314] : memref<1004800x32xf32, #tpu.memory_space<hbm>> -> memref<1004800x32xf32, #tpu.memory_space<hbm>>
        tpu.enqueue_indirect_dma source(%dma_start3A_315 : memref<1004800x32xf32, #tpu.memory_space<hbm>>) target(%dma_start3A_309 : memref<128x32xf32, #tpu.memory_space<vmem>>) offsets(%dma_start3A_312 : memref<128xi32, #tpu.memory_space<vmem>>) semaphore(%arg12 : memref<!tpu.dma_semaphore, #tpu.memory_space<semaphore_mem>>)
        %add3A_316 = arith.constant 2 : i32
        %add3A_317 = arith.addi %mul3A_293, %add3A_316 : i32
        %dma_start3A_318 = arith.constant 256 : i32
        %dma_start3A_319 = arith.constant 0 : i32
        %dma_start3A_320 = tpu.memref_slice %arg8[%dma_start3A_318, %dma_start3A_319] : memref<640x32xf32, #tpu.memory_space<vmem>> -> memref<128x32xf32, #tpu.memory_space<vmem>>
        %dma_start3A_321 = arith.constant 0 : i32
        %dma_start3A_322 = tpu.memref_slice %arg5[%add3A_317, %dma_start3A_321] : memref<200x128xi32, #tpu.memory_space<vmem>> -> memref<1x128xi32, #tpu.memory_space<vmem>>
        %dma_start3A_323 = tpu.memref_squeeze %dma_start3A_322 : memref<1x128xi32, #tpu.memory_space<vmem>> -> memref<128xi32, #tpu.memory_space<vmem>>
        %dma_start3A_324 = arith.constant 0 : i32
        %dma_start3A_325 = arith.constant 0 : i32
        %dma_start3A_326 = tpu.memref_slice %arg3[%dma_start3A_324, %dma_start3A_325] : memref<1004800x32xf32, #tpu.memory_space<hbm>> -> memref<1004800x32xf32, #tpu.memory_space<hbm>>
        tpu.enqueue_indirect_dma source(%dma_start3A_326 : memref<1004800x32xf32, #tpu.memory_space<hbm>>) target(%dma_start3A_320 : memref<128x32xf32, #tpu.memory_space<vmem>>) offsets(%dma_start3A_323 : memref<128xi32, #tpu.memory_space<vmem>>) semaphore(%arg12 : memref<!tpu.dma_semaphore, #tpu.memory_space<semaphore_mem>>)
        %add3A_327 = arith.constant 3 : i32
        %add3A_328 = arith.addi %mul3A_293, %add3A_327 : i32
        %dma_start3A_329 = arith.constant 384 : i32
        %dma_start3A_330 = arith.constant 0 : i32
        %dma_start3A_331 = tpu.memref_slice %arg8[%dma_start3A_329, %dma_start3A_330] : memref<640x32xf32, #tpu.memory_space<vmem>> -> memref<128x32xf32, #tpu.memory_space<vmem>>
        %dma_start3A_332 = arith.constant 0 : i32
        %dma_start3A_333 = tpu.memref_slice %arg5[%add3A_328, %dma_start3A_332] : memref<200x128xi32, #tpu.memory_space<vmem>> -> memref<1x128xi32, #tpu.memory_space<vmem>>
        %dma_start3A_334 = tpu.memref_squeeze %dma_start3A_333 : memref<1x128xi32, #tpu.memory_space<vmem>> -> memref<128xi32, #tpu.memory_space<vmem>>
        %dma_start3A_335 = arith.constant 0 : i32
        %dma_start3A_336 = arith.constant 0 : i32
        %dma_start3A_337 = tpu.memref_slice %arg3[%dma_start3A_335, %dma_start3A_336] : memref<1004800x32xf32, #tpu.memory_space<hbm>> -> memref<1004800x32xf32, #tpu.memory_space<hbm>>
        tpu.enqueue_indirect_dma source(%dma_start3A_337 : memref<1004800x32xf32, #tpu.memory_space<hbm>>) target(%dma_start3A_331 : memref<128x32xf32, #tpu.memory_space<vmem>>) offsets(%dma_start3A_334 : memref<128xi32, #tpu.memory_space<vmem>>) semaphore(%arg12 : memref<!tpu.dma_semaphore, #tpu.memory_space<semaphore_mem>>)
        %add3A_338 = arith.constant 4 : i32
        %add3A_339 = arith.addi %mul3A_293, %add3A_338 : i32
        %dma_start3A_340 = arith.constant 512 : i32
        %dma_start3A_341 = arith.constant 0 : i32
        %dma_start3A_342 = tpu.memref_slice %arg8[%dma_start3A_340, %dma_start3A_341] : memref<640x32xf32, #tpu.memory_space<vmem>> -> memref<128x32xf32, #tpu.memory_space<vmem>>
        %dma_start3A_343 = arith.constant 0 : i32
        %dma_start3A_344 = tpu.memref_slice %arg5[%add3A_339, %dma_start3A_343] : memref<200x128xi32, #tpu.memory_space<vmem>> -> memref<1x128xi32, #tpu.memory_space<vmem>>
        %dma_start3A_345 = tpu.memref_squeeze %dma_start3A_344 : memref<1x128xi32, #tpu.memory_space<vmem>> -> memref<128xi32, #tpu.memory_space<vmem>>
        %dma_start3A_346 = arith.constant 0 : i32
        %dma_start3A_347 = arith.constant 0 : i32
        %dma_start3A_348 = tpu.memref_slice %arg3[%dma_start3A_346, %dma_start3A_347] : memref<1004800x32xf32, #tpu.memory_space<hbm>> -> memref<1004800x32xf32, #tpu.memory_space<hbm>>
        tpu.enqueue_indirect_dma source(%dma_start3A_348 : memref<1004800x32xf32, #tpu.memory_space<hbm>>) target(%dma_start3A_342 : memref<128x32xf32, #tpu.memory_space<vmem>>) offsets(%dma_start3A_345 : memref<128xi32, #tpu.memory_space<vmem>>) semaphore(%arg12 : memref<!tpu.dma_semaphore, #tpu.memory_space<semaphore_mem>>)
      } else {
      }
    }
    %scan3A_158 = arith.constant 10 : i32
    %dma_wait3A = arith.constant 0 : i32
    %dma_wait3A_159 = arith.constant 0 : i32
    %dma_wait3A_160 = tpu.memref_slice %arg4[%dma_wait3A, %dma_wait3A_159] : memref<819200x32xf32, #tpu.memory_space<hbm>> -> memref<640x32xf32, #tpu.memory_space<hbm>>
    %dma_wait3A_161 = arith.constant 0 : i32
    %dma_wait3A_162 = arith.constant 0 : i32
    %dma_wait3A_163 = tpu.memref_slice %arg4[%dma_wait3A_161, %dma_wait3A_162] : memref<819200x32xf32, #tpu.memory_space<hbm>> -> memref<640x32xf32, #tpu.memory_space<hbm>>
    tpu.wait_dma2 semaphore(%arg14 : memref<!tpu.dma_semaphore, #tpu.memory_space<semaphore_mem>>) src(%arg6 : memref<640x32xf32, #tpu.memory_space<vmem>>) dst(%dma_wait3A_163 : memref<640x32xf32, #tpu.memory_space<hbm>>)
    %dma_wait3A_164 = arith.constant 0 : i32
    %dma_wait3A_165 = arith.constant 0 : i32
    %dma_wait3A_166 = tpu.memref_slice %arg4[%dma_wait3A_164, %dma_wait3A_165] : memref<819200x32xf32, #tpu.memory_space<hbm>> -> memref<640x32xf32, #tpu.memory_space<hbm>>
    %dma_wait3A_167 = arith.constant 0 : i32
    %dma_wait3A_168 = arith.constant 0 : i32
    %dma_wait3A_169 = tpu.memref_slice %arg4[%dma_wait3A_167, %dma_wait3A_168] : memref<819200x32xf32, #tpu.memory_space<hbm>> -> memref<640x32xf32, #tpu.memory_space<hbm>>
    tpu.wait_dma2 semaphore(%arg15 : memref<!tpu.dma_semaphore, #tpu.memory_space<semaphore_mem>>) src(%arg7 : memref<640x32xf32, #tpu.memory_space<vmem>>) dst(%dma_wait3A_169 : memref<640x32xf32, #tpu.memory_space<hbm>>)
    %dma_wait3A_170 = arith.constant 0 : i32
    %dma_wait3A_171 = arith.constant 0 : i32
    %dma_wait3A_172 = tpu.memref_slice %arg4[%dma_wait3A_170, %dma_wait3A_171] : memref<819200x32xf32, #tpu.memory_space<hbm>> -> memref<640x32xf32, #tpu.memory_space<hbm>>
    %dma_wait3A_173 = arith.constant 0 : i32
    %dma_wait3A_174 = arith.constant 0 : i32
    %dma_wait3A_175 = tpu.memref_slice %arg4[%dma_wait3A_173, %dma_wait3A_174] : memref<819200x32xf32, #tpu.memory_space<hbm>> -> memref<640x32xf32, #tpu.memory_space<hbm>>
    tpu.wait_dma2 semaphore(%arg16 : memref<!tpu.dma_semaphore, #tpu.memory_space<semaphore_mem>>) src(%arg8 : memref<640x32xf32, #tpu.memory_space<vmem>>) dst(%dma_wait3A_175 : memref<640x32xf32, #tpu.memory_space<hbm>>)
    %dma_wait3A_176 = arith.constant 0 : i32
    %dma_wait3A_177 = arith.constant 0 : i32
    %dma_wait3A_178 = tpu.memref_slice %arg4[%dma_wait3A_176, %dma_wait3A_177] : memref<819200x32xf32, #tpu.memory_space<hbm>> -> memref<640x32xf32, #tpu.memory_space<hbm>>
    %dma_wait3A_179 = arith.constant 0 : i32
    %dma_wait3A_180 = arith.constant 0 : i32
    %dma_wait3A_181 = tpu.memref_slice %arg4[%dma_wait3A_179, %dma_wait3A_180] : memref<819200x32xf32, #tpu.memory_space<hbm>> -> memref<640x32xf32, #tpu.memory_space<hbm>>
    tpu.wait_dma2 semaphore(%arg17 : memref<!tpu.dma_semaphore, #tpu.memory_space<semaphore_mem>>) src(%arg9 : memref<640x32xf32, #tpu.memory_space<vmem>>) dst(%dma_wait3A_181 : memref<640x32xf32, #tpu.memory_space<hbm>>)
    return
  }
}

module attributes {stable_mosaic.version = 14 : i64} {
  func.func @body(%arg0: i32, %arg1: memref<32x6400xf32, #tpu.memory_space<vmem>>, %arg2: memref<1600x128xf32, #tpu.memory_space<vmem>>) attributes {dimension_semantics = [#tpu.dimension_semantics<arbitrary>], iteration_bounds = array<i64: 157>, scalar_prefetch = 0 : i64, scratch_operands = 0 : i64, tpu.core_type = #tpu.core_type<tc>, window_params = [{transform_indices = @transform_0, window_bounds = array<i64: 32, 6400>}, {transform_indices = @transform_1, window_bounds = array<i64: 1600, 128>}]} {
    %iota3A = tpu.iota {dimensions = array<i32: 0>} : vector<32x128xi32>
    %iota3A_0 = tpu.iota {dimensions = array<i32: 1>} : vector<32x128xi32>
    %add3A = arith.constant 0 : i32
    %add3A_1 = vector.broadcast %add3A : i32 to vector<32x128xi32>
    %add3A_2 = arith.addi %iota3A, %add3A_1 : vector<32x128xi32>
    %eq3A = arith.cmpi eq, %iota3A_0, %add3A_2 : vector<32x128xi32>
    %jit3A = arith.constant 1.000000e+00 : f32
    %jit3A_3 = arith.constant 0.000000e+00 : f32
    %broadcast_in_dim3A = vector.broadcast %jit3A : f32 to vector<32x128xf32>
    %broadcast_in_dim3A_4 = vector.broadcast %jit3A_3 : f32 to vector<32x128xf32>
    %select_n3A = arith.select %eq3A, %broadcast_in_dim3A, %broadcast_in_dim3A_4 : vector<32x128xi1>, vector<32x128xf32>
    %get3A = arith.constant 0 : index
    %get3A_5 = arith.constant 0 : index
    %get3A_6 = vector.load %arg1[%get3A, %get3A_5] : memref<32x6400xf32, #tpu.memory_space<vmem>>, vector<32x1600xf32>
    %dot_general3A = arith.constant dense<0.000000e+00> : vector<1600x128xf32>
    %dot_general3A_7 = tpu.matmul %get3A_6, %select_n3A, %dot_general3A {dimension_numbers = #tpu.dot_dimension_numbers<[0], [0], [1], [1], [0, 1, 1, 1], [], []>, transpose_lhs_hint = false} : vector<32x1600xf32>, vector<32x128xf32>, vector<1600x128xf32> -> vector<1600x128xf32>
    %add3A_8 = arith.constant 32 : i32
    %add3A_9 = vector.broadcast %add3A_8 : i32 to vector<32x128xi32>
    %add3A_10 = arith.addi %iota3A, %add3A_9 : vector<32x128xi32>
    %eq3A_11 = arith.cmpi eq, %iota3A_0, %add3A_10 : vector<32x128xi32>
    %jit3A_12 = arith.constant 1.000000e+00 : f32
    %jit3A_13 = arith.constant 0.000000e+00 : f32
    %broadcast_in_dim3A_14 = vector.broadcast %jit3A_12 : f32 to vector<32x128xf32>
    %broadcast_in_dim3A_15 = vector.broadcast %jit3A_13 : f32 to vector<32x128xf32>
    %select_n3A_16 = arith.select %eq3A_11, %broadcast_in_dim3A_14, %broadcast_in_dim3A_15 : vector<32x128xi1>, vector<32x128xf32>
    %get3A_17 = arith.constant 0 : index
    %get3A_18 = arith.constant 1600 : index
    %get3A_19 = vector.load %arg1[%get3A_17, %get3A_18] : memref<32x6400xf32, #tpu.memory_space<vmem>>, vector<32x1600xf32>
    %dot_general3A_20 = arith.constant dense<0.000000e+00> : vector<1600x128xf32>
    %dot_general3A_21 = tpu.matmul %get3A_19, %select_n3A_16, %dot_general3A_20 {dimension_numbers = #tpu.dot_dimension_numbers<[0], [0], [1], [1], [0, 1, 1, 1], [], []>, transpose_lhs_hint = false} : vector<32x1600xf32>, vector<32x128xf32>, vector<1600x128xf32> -> vector<1600x128xf32>
    %add3A_22 = arith.addf %dot_general3A_7, %dot_general3A_21 : vector<1600x128xf32>
    %add3A_23 = arith.constant 64 : i32
    %add3A_24 = vector.broadcast %add3A_23 : i32 to vector<32x128xi32>
    %add3A_25 = arith.addi %iota3A, %add3A_24 : vector<32x128xi32>
    %eq3A_26 = arith.cmpi eq, %iota3A_0, %add3A_25 : vector<32x128xi32>
    %jit3A_27 = arith.constant 1.000000e+00 : f32
    %jit3A_28 = arith.constant 0.000000e+00 : f32
    %broadcast_in_dim3A_29 = vector.broadcast %jit3A_27 : f32 to vector<32x128xf32>
    %broadcast_in_dim3A_30 = vector.broadcast %jit3A_28 : f32 to vector<32x128xf32>
    %select_n3A_31 = arith.select %eq3A_26, %broadcast_in_dim3A_29, %broadcast_in_dim3A_30 : vector<32x128xi1>, vector<32x128xf32>
    %get3A_32 = arith.constant 0 : index
    %get3A_33 = arith.constant 3200 : index
    %get3A_34 = vector.load %arg1[%get3A_32, %get3A_33] : memref<32x6400xf32, #tpu.memory_space<vmem>>, vector<32x1600xf32>
    %dot_general3A_35 = arith.constant dense<0.000000e+00> : vector<1600x128xf32>
    %dot_general3A_36 = tpu.matmul %get3A_34, %select_n3A_31, %dot_general3A_35 {dimension_numbers = #tpu.dot_dimension_numbers<[0], [0], [1], [1], [0, 1, 1, 1], [], []>, transpose_lhs_hint = false} : vector<32x1600xf32>, vector<32x128xf32>, vector<1600x128xf32> -> vector<1600x128xf32>
    %add3A_37 = arith.addf %add3A_22, %dot_general3A_36 : vector<1600x128xf32>
    %add3A_38 = arith.constant 96 : i32
    %add3A_39 = vector.broadcast %add3A_38 : i32 to vector<32x128xi32>
    %add3A_40 = arith.addi %iota3A, %add3A_39 : vector<32x128xi32>
    %eq3A_41 = arith.cmpi eq, %iota3A_0, %add3A_40 : vector<32x128xi32>
    %jit3A_42 = arith.constant 1.000000e+00 : f32
    %jit3A_43 = arith.constant 0.000000e+00 : f32
    %broadcast_in_dim3A_44 = vector.broadcast %jit3A_42 : f32 to vector<32x128xf32>
    %broadcast_in_dim3A_45 = vector.broadcast %jit3A_43 : f32 to vector<32x128xf32>
    %select_n3A_46 = arith.select %eq3A_41, %broadcast_in_dim3A_44, %broadcast_in_dim3A_45 : vector<32x128xi1>, vector<32x128xf32>
    %get3A_47 = arith.constant 0 : index
    %get3A_48 = arith.constant 4800 : index
    %get3A_49 = vector.load %arg1[%get3A_47, %get3A_48] : memref<32x6400xf32, #tpu.memory_space<vmem>>, vector<32x1600xf32>
    %dot_general3A_50 = arith.constant dense<0.000000e+00> : vector<1600x128xf32>
    %dot_general3A_51 = tpu.matmul %get3A_49, %select_n3A_46, %dot_general3A_50 {dimension_numbers = #tpu.dot_dimension_numbers<[0], [0], [1], [1], [0, 1, 1, 1], [], []>, transpose_lhs_hint = false} : vector<32x1600xf32>, vector<32x128xf32>, vector<1600x128xf32> -> vector<1600x128xf32>
    %add3A_52 = arith.addf %add3A_37, %dot_general3A_51 : vector<1600x128xf32>
    %mul3A = arith.constant 5.65685415 : f32
    %mul3A_53 = vector.broadcast %mul3A : f32 to vector<1600x128xf32>
    %mul3A_54 = arith.mulf %add3A_52, %mul3A_53 : vector<1600x128xf32>
    %swap3A = arith.constant 0 : index
    %swap3A_55 = arith.constant 0 : index
    %swap3A_56 = vector.load %arg2[%swap3A, %swap3A_55] : memref<1600x128xf32, #tpu.memory_space<vmem>>, vector<1600x128xf32>
    tpu.vector_store %arg2[%swap3A, %swap3A_55], %mul3A_54 {strides = array<i32>} : memref<1600x128xf32, #tpu.memory_space<vmem>>, vector<1600x128xf32>,
    return
  }
  func.func @transform_0(%arg0: i32) -> (i32, i32) {
    %c0_i32 = arith.constant 0 : i32
    %c0_i32_0 = arith.constant 0 : i32
    return %c0_i32, %arg0 : i32, i32
  }
  func.func @transform_1(%arg0: i32) -> (i32, i32) {
    %c0_i32 = arith.constant 0 : i32
    %c0_i32_0 = arith.constant 0 : i32
    return %arg0, %c0_i32 : i32, i32
  }
}

</mosaic_0001>

<sc_bundles>
// kernel: kernel.4.cloned.1.call-start
scs
__scs_entry_jumppad:
0x0: {  	(pc) =	sbr.rel $0x88, $3  }
0x1: {  	(tag) =	ssettag $0x0;
	lr =	simm.s32 $0x1  }
0x2: {  	[smem:$0x3F9F] =	sst lr;
	_ =	strace $0xD0000000  }
0x3: {  	_ = 	snop  }
0x4: {  	_ = 	snop  }
0x5: {  	_ = 	snop  }
0x6: {  	_ = 	snop  }
0x7: {  	_ = 	snop  }
__scs_overlays_trampoline_lowered:
0x8: {  	[smem:$0x3FAE] =	sst s0  }
0x9: {  	[smem:$0x3FAF] =	sst s1  }
0xa: {  	[smem:$0x3FB0] =	sst s2  }
0xb: {  	[smem:$0x3FB1] =	sst s3  }
0xc: {  	[smem:$0x3FB2] =	sst s4  }
0xd: {  	[smem:$0x3FB3] =	sst s5  }
0xe: {  	[smem:$0x3FB4] =	sst s6  }
0xf: {  	[smem:$0x3FB5] =	sst s7  }
0x10: {  	[smem:$0x3FB6] =	sst s8  }
0x11: {  	[smem:$0x3FB7] =	sst s9;
	s0 =	simm.s32 @!p0 $0x0  }
0x12: {  	s1 =	sld [smem:$0x3F9D];
	s0 =	simm.s32 @p0 $0x1  }
0x13: {  	[smem:$0x3FB8] =	sst s0;
	s0 =	simm.s32 @!p1 $0x0  }
0x14: {  	s2 =	sld [smem:$0x3F9C];
	s0 =	simm.s32 @p1 $0x1  }
0x15: {  	[smem:$0x3FB9] =	sst s0;
	s0 =	simm.s32 @!p2 $0x0  }
0x16: {  	s3 =	sld [smem:$0x3FDB];
	s0 =	simm.s32 @p2 $0x1  }
0x17: {  	s4 =	simm.s32 $0x1BF5;
	[smem:$0x3FBB] =	sst s0  }
0x18: {  	s0 =	sld [smem:$0x3F9E];
	_ =	swait.ge [sflag:s4], $0x0  }
0x19: {  	s7 =	sld [smem:$0x3F9F]  }
0x1a: {  	s8 =	sadd.s32 $0xFFFFE003, lr  }
0x1b: {  	s9 =	sadd.s32 $0xFFFFFEF7, lr;
	s5 =	simm.s32 $0xFFFFFFFF;
	p2 =	slt.u32 s8, $0xFFFFF086  }
0x1c: {  	p1 =	slt.u32 s9, $0xF7A;
	s5 =	simm.s32 @!p2 $0x0  }
0x1d: {  	s5 =	simm.s32 @p1 $0x1;
	p0 =	seq.s32 s7, s2  }
0x1e: {  	s7 =	smul.u32 @!p0 $0xF7A, s2;
	p2 =	seq.s32 @!p0 s5, $0x0  }
0x1f: {  	s9 =	smul.u32 $0xF7A, s1;
	s8 =	simm.s32 @!p0 $0x1BF5;
	p2 =	por !p2, p0  }
0x20: {  	[sflag:s8] =	ssyncset.s32 @!p0 $0xFFFFF086;
	s6 =	sadd.s32 @!p0 s3, s7;
	s7 =	simm.s32 @!p0 $0x108  }
0x21: {  	s3 =	sadd.s32 s3, s9;
	s6 =	sadd.s32 @!p0 $0x88, s6;
	s7 =	simm.s32 @p2 $0x1082  }
0x22: {  	[simem:s7], [sflag:s8] =	dma.local @!p0 [hbm:s6], $0xF7A  }
0x23: {  	s9 =	sor.u32 $0xD0000000, s2;
	s6 =	simm.s32 $0x108;
	_ =	swait.ge @!p0 [sflag:s8], $0x0  }
0x24: {  	s3 =	sadd.s32 $0x88, s3;
	s6 =	simm.s32 @!p1 $0x1082;
	[sflag:s4] =	ssyncset.s32 $0xFFFFF086  }
0x25: {  	[simem:s6], [sflag:s4] =	dma.local [hbm:s3], $0xF7A  }
0x26: {  	[smem:$0x3F9F] =	sst s1;
	(tag) =	ssettag s2;
	_ =	strace s9  }
0x27: {  	s1 =	sld [smem:$0x3FAF]  }
0x28: {  	s2 =	sld [smem:$0x3FB0]  }
0x29: {  	s4 =	sld [smem:$0x3FB2]  }
0x2a: {  	p0 =	seq.s32 s5, $0x0;
	s5 =	sld [smem:$0x3FB3]  }
0x2b: {  	s6 =	sld [smem:$0x3FB4]  }
0x2c: {  	s7 =	sld [smem:$0x3FB5]  }
0x2d: {  	s3 =	simm.s32 $0x108;
	s8 =	sld [smem:$0x3FB6]  }
0x2e: {  	s3 =	simm.s32 @!p0 $0x1082;
	s9 =	sld [smem:$0x3FB7]  }
0x2f: {  	lr =	sadd.s32 s0, s3;
	s0 =	sld [smem:$0x3FAE]  }
0x30: {  	s3 =	sld [smem:$0x3FB1]  }
0x31: {  	[smem:$0x3FBA] =	sst s10  }
0x32: {  	s10 =	sld [smem:$0x3FB8];
	_ =	sdelay $0x3  }
0x33: {  	p0 =	seq.s32 s10, $0x1;
	s10 =	sld [smem:$0x3FBA];
	_ =	sdelay $0x3  }
0x34: {  	[smem:$0x3FBA] =	sst s10  }
0x35: {  	s10 =	sld [smem:$0x3FB9];
	_ =	sdelay $0x3  }
0x36: {  	p1 =	seq.s32 s10, $0x1;
	s10 =	sld [smem:$0x3FBA];
	_ =	sdelay $0x3  }
0x37: {  	[smem:$0x3FBA] =	sst s10  }
0x38: {  	s10 =	sld [smem:$0x3FBB]  }
0x39: {  	_ = 	snop;
	(pc) =	sbr.ind lr, $3  }
0x3a: {  	_ = 	snop  }
0x3b: {  	_ = 	snop  }
0x3c: {  	p2 =	seq.s32 s10, $0x1;
	s10 =	sld [smem:$0x3FBA]  }
0x3d: {  	_ =	shalt  }
0x3e: {  	_ =	shalt  }
0x3f: {  	_ =	shalt  }
0x40: {  	_ =	shalt  }
0x41: {  	_ =	shalt  }
0x42: {  	_ =	shalt  }
0x43: {  	_ =	shalt  }
0x44: {  	_ =	shalt  }
0x45: {  	_ =	shalt  }
0x46: {  	_ =	shalt  }
0x47: {  	_ =	shalt  }
0x48: {  	_ =	shalt  }
0x49: {  	_ =	shalt  }
0x4a: {  	_ =	shalt  }
0x4b: {  	_ =	shalt  }
0x4c: {  	_ =	shalt  }
0x4d: {  	_ =	shalt  }
0x4e: {  	_ =	shalt  }
0x4f: {  	_ =	shalt  }
0x50: {  	_ =	shalt  }
0x51: {  	_ =	shalt  }
0x52: {  	_ =	shalt  }
0x53: {  	_ =	shalt  }
0x54: {  	_ =	shalt  }
0x55: {  	_ =	shalt  }
0x56: {  	_ =	shalt  }
0x57: {  	_ =	shalt  }
0x58: {  	_ =	shalt  }
0x59: {  	_ =	shalt  }
0x5a: {  	_ =	shalt  }
0x5b: {  	_ =	shalt  }
0x5c: {  	_ =	shalt  }
0x5d: {  	_ =	shalt  }
0x5e: {  	_ =	shalt  }
0x5f: {  	_ =	shalt  }
0x60: {  	_ =	shalt  }
0x61: {  	_ =	shalt  }
0x62: {  	_ =	shalt  }
0x63: {  	_ =	shalt  }
0x64: {  	_ =	shalt  }
0x65: {  	_ =	shalt  }
0x66: {  	_ =	shalt  }
0x67: {  	_ =	shalt  }
0x68: {  	_ =	shalt  }
0x69: {  	_ =	shalt  }
0x6a: {  	_ =	shalt  }
0x6b: {  	_ =	shalt  }
0x6c: {  	_ =	shalt  }
0x6d: {  	_ =	shalt  }
0x6e: {  	_ =	shalt  }
0x6f: {  	_ =	shalt  }
0x70: {  	_ =	shalt  }
0x71: {  	_ =	shalt  }
0x72: {  	_ =	shalt  }
0x73: {  	_ =	shalt  }
0x74: {  	_ =	shalt  }
0x75: {  	_ =	shalt  }
0x76: {  	_ =	shalt  }
0x77: {  	_ =	shalt  }
0x78: {  	_ =	shalt  }
0x79: {  	_ =	shalt  }
0x7a: {  	_ =	shalt  }
0x7b: {  	_ =	shalt  }
0x7c: {  	_ =	shalt  }
0x7d: {  	_ =	shalt  }
0x7e: {  	_ =	shalt  }
0x7f: {  	_ =	shalt  }
0x80: {  	_ =	shalt  }
0x81: {  	_ =	shalt  }
0x82: {  	_ =	shalt  }
0x83: {  	_ =	shalt  }
0x84: {  	_ =	shalt  }
0x85: {  	_ =	shalt  }
0x86: {  	_ =	shalt  }
0x87: {  	_ =	shalt  }
.Lfunc_end0:
.L_simem_size_0:
called_computation.1_lowered:
.L_overlay_start_0:
0x88: {  	s2 =	sld [smem:$0x3FD9]  }
0x89: {  	s3 =	sld [smem:$0x3FFE];
	_ =	sdelay $0x1  }
0x8a: {  	s1 =	srdreg.scid  }
0x8b: {  	s0 =	sand.u32 $0x1, s1  }
0x8c: {  	s17 =	sshll.u32 s0, $0xA;
	s2 =	sadd.s32 s3, s2  }
0x8d: {  	s2 =	sadd.s32 s2, s17  }
0x8e: {  	[smem:$0x3FC6] =	sst s2  }
0x8f: {  	_ = 	snop  }
0x90: {  	s2 =	sld [smem:$0x3FD0];
	(tm) =	ssettm $0x1  }
0x91: {  	s18 =	sld [smem:$0x3FFB];
	_ =	sdelay $0x3  }
0x92: {  	_ =	strace s18  }
0x93: {  	s3 =	sld [smem:$0x3FFC];
	_ =	sdelay $0x3  }
0x94: {  	_ =	strace s3  }
0x95: {  	s3 =	sld [smem:$0x3FFD];
	_ =	sdelay $0x3  }
0x96: {  	_ =	strace s3  }
0x97: {  	_ =	strace $0x8FFFFFFF  }
0x98: {  	s19 =	sld [smem:$0x3FDB];
	_ =	sdelay $0x1  }
0x99: {  	s4 =	simm.s32 $_scs_section_size  }
0x9a: {  	s5 =	simm.s32 $_size__tile_overlayer_lowered;
	s6 =	simm.s32 $_tile_overlayer_lowered  }
0x9b: {  	s22 =	simm.s32 $0x1BFF;
	s21 =	sshll.u32 s6, $0x1;
	s3 =	sadd.s32 s4, s19  }
0x9c: {  	s7 =	simm.s32 $0x0;
	s20 =	sshll.u32 s5, $0x1;
	s5 =	sadd.s32 s21, s3  }
0x9d: {  	[timem:s7], [sflag:s22] =	dma.local [hbm:s5], s20  }
0x9e: {  	_ =	swait.ge [sflag:s22], s20  }
0x9f: {  	s4 =	ssub.s32 $0x0, s20;
	[sflag:s22] =	ssyncset.done $0x0  }
0xa0: {  	[sflag:s22] =	ssyncadd.s32 s4;
	_ =	sdelay $0x1  }
0xa1: {  	s23 =	simm.s32 $0x1B8B  }
0xa2: {  	_ =	swait.ge [sflag:s23], $0x1  }
0xa3: {  	[sflag:s23] =	ssyncset.done $0x0  }
0xa4: {  	s25 =	simm.s32 $0x1B8E;
	s24 =	sld [smem:$0x3FFE];
	[sflag:s23] =	ssyncadd.s32 $0xFFFFFFFF  }
0xa5: {  	s26 =	simm.s32 $execute0_lowered;
	[smem:$0x3FD2] =	sst s25  }
0xa6: {  	s5 =	sshll.u32 s26, $0x1;
	_ =	strace $0x80000046;
	[dreg:$0x1] =	wrdreg $0xFFFFFFFF  }
0xa7: {  	s28 =	simm.s32 $_size_execute0_lowered;
	s3 =	sadd.s32 s3, s5;
	[dreg:$0x0] =	wrdreg $0x0  }
0xa8: {  	s5 =	sshll.u32 s28, $0x1;
	[dreg:$0x2] =	wrdreg s3  }
0xa9: {  	[dreg:$0x3] =	wrdreg s5  }
0xaa: {  	[dreg:$0x4] =	wrdreg $0xC0  }
0xab: {  	_ =	task [dreg:s7], $0x5FFFF  }
0xac: {  	[dreg:$0x1] =	wrdreg $0xFFFFFFFF  }
0xad: {  	[dreg:$0x0] =	wrdreg $0x60  }
0xae: {  	[dreg:$0x2] =	wrdreg s24  }
0xaf: {  	[dreg:$0x3] =	wrdreg s2  }
0xb0: {  	[dreg:$0x4] =	wrdreg $0x9  }
0xb1: {  	_ =	task.clear_ibuf [dreg:s7], $0x5FFFF;
	_ =	strace $0x90000046  }
0xb2: {  	s29 =	simm.s32 $0x9;
	_ =	strace $0x80000048  }
0xb3: {  	_ =	swait.ge [sflag:s29], $0x1  }
0xb4: {  	[sflag:s29] =	ssyncadd.s32 $0xFFFFFFFF  }
0xb5: {  	_ =	strace $0x90000048  }
0xb6: {  	_ =	sfence  }
0xb7: {  	s30 =	sld [smem:$0x0];
	_ =	sdelay $0x2  }
0xb8: {  	s31 =	sshll.u32 s1, $0xD;
	s1 =	sshrl.u32 s1, $0x2  }
0xb9: {  	s3 =	sand.u32 $0x4000, s31;
	s1 =	sadd.s32 s1, s30  }
0xba: {  	s0 =	sor.u32 s3, s0;
	s1 =	sshll.u32 s1, $0x11  }
0xbb: {  	s0 =	sor.u32 s1, s0  }
0xbc: {  	s0 =	sadd.s32 $0x8F2B, s0  }
0xbd: {  	[sflag:s0] =	ssyncadd.remote.s32 $0x1  }
0xbe: {  	_ =	sfence.sel $0xFFFF  }
0xbf: {  	[dreg:$0x0] =	wrdreg $0xFFFFFFFF;
	(pc) =	sbr.abs _section_cstart, $3  }
0xc0: {  	[dreg:$0x1] =	wrdreg $0xFFFFFFFF  }
0xc1: {  	_ =	task.clear_ibuf [dreg:s7], $0x2FFFF;
	_ =	strace $0x9FFFFFFF  }
0xc2: {  	(tm) =	ssettm $0x7FFFFFFF  }
0xc3: {  	_ =	shalt  }
tec
execute0_lowered:
.L_overlay_start_1:
0x0: {  	(tag) =	ssettag $0x1  }
0x1: {  	s0 =	srdreg.scid;
	s3 =	rddreg [dreg:$0x0]  }
0x2: {  	s9 =	stileid.u32;
	s7 =	rddreg [dreg:$0x1];
	s2 =	simm.s32 $0x0  }
0x3: {  	s11 =	simm.s32 $0x80;
	s12 =	simm.s32 $0x6400;
	s21 =	simm.s32 $0xB400  }
0x4: {  	s13 =	simm.s32 $0x11400;
	s15 =	simm.s32 $0x12400;
	s17 =	simm.s32 $0x13400  }
0x5: {  	s19 =	simm.s32 $0x14400;
	s20 =	simm.s32 $0x1;
	s28 =	simm.s32 $0x15400  }
0x6: {  	s29 =	simm.s32 $0x5;
	s30 =	simm.s32 $0x6;
	s4 =	smul.u32 $0xC800, s9  }
0x7: {  	s31 =	simm.s32 $0x7;
	s0 =	sand.u32 $0x1, s0;
	s24 =	smul.u32 $0x32000, s9  }
0x8: {  	s1 =	sshll.u32 s9, $0x1;
	[smem:$0x7FF] =	sst s2;
	s5 =	smul.u32 $0x6400, s0  }
0x9: {  	s1 =	sor.u32 s0, s1;
	s6 =	ssub.s32 $0x2, s0;
	s0 =	smul.u32 $0x19000, s0  }
0xa: {  	s14 =	simm.s32 $0x0;
	_ =	strace $0x80000047;
	s1 =	smul.u32 $0xC80, s1  }
0xb: {  	s8 =	sshrl.u32 s6, $0x1;
	s9 =	sadd.s32 s24, s7;
	s24 =	simm.s32 $0x2  }
0xc: {  	s4 =	sadd.s32 s5, s4;
	s22 =	ssub.s32 s6, s8;
	s9 =	sadd.s32 s0, s9  }
0xd: {  	s0 =	simm.s32 $0x8;
	s1 =	sadd.s32 s1, s3;
	s3 =	sadd.s32 $0x19800, s3  }
.Ltmp0:
0xe: {  	s23 =	sshll.u32 s4, $0x2;
	s26 =	smax.u32 s22, $0x1;
	(pc) =	sbr.rel .LBB2_1-.Ltmp0, $4  }
0xf: {  	s22 =	simm.s32 $0x18400;
	s1 =	sadd.s32 $0x800, s1;
	s25 =	sadd.s32 s23, s7  }
0x10: {  	[dreg:$0x4] =	wrdreg s26;
	s23 =	simm.s32 $0x19400;
	s26 =	simm.s32 $0x4  }
0x11: {  	[dreg:$0x3] =	wrdreg s1;
	s6 =	sadd.s32 $0x1E00, s25;
	s7 =	sadd.s32 $0x1400, s25  }
0x12: {  	s8 =	sadd.s32 $0xA00, s25;
	s1 =	simm.s32 $0x10400;
	s25 =	simm.s32 $0x3  }
.LBB2_4:
0x13: {  	_ =	swait.ge [sflag:s29], $0x5000  }
0x14: {  	[sflag:s29] =	ssyncset.done $0x0  }
0x15: {  	[sflag:s29] =	ssyncadd.s32 $0xFFFFB000  }
0x16: {  	_ =	swait.ge [sflag:s30], $0x5000  }
0x17: {  	[sflag:s30] =	ssyncset.done $0x0  }
0x18: {  	[sflag:s30] =	ssyncadd.s32 $0xFFFFB000  }
0x19: {  	_ =	swait.ge [sflag:s31], $0x5000  }
0x1a: {  	[sflag:s31] =	ssyncset.done $0x0  }
0x1b: {  	[sflag:s31] =	ssyncadd.s32 $0xFFFFB000  }
0x1c: {  	_ =	swait.ge [sflag:s0], $0x5000  }
0x1d: {  	s14 =	sadd.s32 $0x1, s14;
	s4 =	rddreg [dreg:$0x4]  }
0x1e: {  	p0 =	sne.s32 s14, s4  }
.Ltmp1:
0x1f: {  	_ = 	snop;
	(pc) =	sbr.rel @!p0 .LBB2_5-.Ltmp1, $3  }
0x20: {  	_ =	sdelay $0x1  }
0x21: {  	[sflag:s0] =	ssyncset.done $0x0  }
0x22: {  	[sflag:s0] =	ssyncadd.s32 $0xFFFFB000  }
.LBB2_1:
0x23: {  	s4 =	rddreg [dreg:$0x3];
	s10 =	simm.s32 $0x9  }
0x24: {  	[tilespmem:s2], [sflag:$0x9] =	stream.linear.gather [hbm4b:s4+s2], $0x6400, $0x38;
	[tilespmem:$0x1A400] =	vst v63  }
0x25: {  	_ =	swait.ge [sflag:s10], $0x6400  }
0x26: {  	[sflag:s10] =	ssyncset.done $0x0  }
0x27: {  	[sflag:s10] =	ssyncadd.s32 $0xFFFF9C00  }
0x28: {  	[tilespmem:s12], [sflag:$0x1] =	stream.indirect.gather [hbm4b:s3+s11], $0x20, s2, s11, $0xb8;
	[tilespmem:$0x1A400] =	vst v63  }
0x29: {  	s16 =	simm.s32 $0x7400  }
0x2a: {  	[tilespmem:s16], [sflag:$0x1] =	stream.indirect.gather [hbm4b:s3+s11], $0x20, s11, s11, $0xb8;
	[tilespmem:$0x1A400] =	vst v63  }
0x2b: {  	s18 =	simm.s32 $0x100;
	s5 =	simm.s32 $0x8400  }
0x2c: {  	[tilespmem:s5], [sflag:$0x1] =	stream.indirect.gather [hbm4b:s3+s11], $0x20, s18, s11, $0xb8;
	[tilespmem:$0x1A400] =	vst v63  }
0x2d: {  	s10 =	simm.s32 $0x9400;
	s5 =	simm.s32 $0x180  }
0x2e: {  	[tilespmem:s10], [sflag:$0x1] =	stream.indirect.gather [hbm4b:s3+s11], $0x20, s5, s11, $0xb8;
	[tilespmem:$0x1A400] =	vst v63  }
0x2f: {  	s16 =	simm.s32 $0x200;
	s18 =	simm.s32 $0xA400  }
0x30: {  	[tilespmem:s18], [sflag:$0x1] =	stream.indirect.gather [hbm4b:s3+s11], $0x20, s16, s11, $0xb8;
	[tilespmem:$0x1A400] =	vst v63  }
0x31: {  	s10 =	simm.s32 $0x280  }
0x32: {  	[tilespmem:s21], [sflag:$0x2] =	stream.indirect.gather [hbm4b:s3+s11], $0x20, s10, s11, $0xb8;
	[tilespmem:$0x1A400] =	vst v63  }
0x33: {  	s16 =	simm.s32 $0x300;
	s18 =	simm.s32 $0xC400  }
0x34: {  	[tilespmem:s18], [sflag:$0x2] =	stream.indirect.gather [hbm4b:s3+s11], $0x20, s16, s11, $0xb8;
	[tilespmem:$0x1A400] =	vst v63  }
0x35: {  	s5 =	simm.s32 $0x380;
	s10 =	simm.s32 $0xD400  }
0x36: {  	[tilespmem:s10], [sflag:$0x2] =	stream.indirect.gather [hbm4b:s3+s11], $0x20, s5, s11, $0xb8;
	[tilespmem:$0x1A400] =	vst v63  }
0x37: {  	s16 =	simm.s32 $0x400;
	s18 =	simm.s32 $0xE400  }
0x38: {  	[tilespmem:s18], [sflag:$0x2] =	stream.indirect.gather [hbm4b:s3+s11], $0x20, s16, s11, $0xb8;
	[tilespmem:$0x1A400] =	vst v63  }
0x39: {  	s10 =	simm.s32 $0x480;
	s16 =	simm.s32 $0xF400  }
0x3a: {  	[tilespmem:s16], [sflag:$0x2] =	stream.indirect.gather [hbm4b:s3+s11], $0x20, s10, s11, $0xb8;
	[tilespmem:$0x1A400] =	vst v63  }
0x3b: {  	s18 =	simm.s32 $0x500  }
0x3c: {  	[tilespmem:s1], [sflag:$0x3] =	stream.indirect.gather [hbm4b:s3+s11], $0x20, s18, s11, $0xb8;
	[tilespmem:$0x1A400] =	vst v63  }
0x3d: {  	s5 =	simm.s32 $0x580  }
0x3e: {  	[tilespmem:s13], [sflag:$0x3] =	stream.indirect.gather [hbm4b:s3+s11], $0x20, s5, s11, $0xb8;
	[tilespmem:$0x1A400] =	vst v63  }
0x3f: {  	s10 =	simm.s32 $0x600  }
0x40: {  	[tilespmem:s15], [sflag:$0x3] =	stream.indirect.gather [hbm4b:s3+s11], $0x20, s10, s11, $0xb8;
	[tilespmem:$0x1A400] =	vst v63  }
0x41: {  	s16 =	simm.s32 $0x680  }
0x42: {  	[tilespmem:s17], [sflag:$0x3] =	stream.indirect.gather [hbm4b:s3+s11], $0x20, s16, s11, $0xb8;
	[tilespmem:$0x1A400] =	vst v63  }
0x43: {  	s18 =	simm.s32 $0x700;
	s16 =	simm.s32 $0x0  }
0x44: {  	[tilespmem:s19], [sflag:$0x3] =	stream.indirect.gather [hbm4b:s3+s11], $0x20, s18, s11, $0xb8;
	[tilespmem:$0x1A400] =	vst v63  }
.LBB2_2:
0x45: {  	_ =	swait.ge [sflag:s20], $0x5000  }
0x46: {  	[sflag:s20] =	ssyncset.done $0x0  }
0x47: {  	s18 =	sadd.s32 s16, s9;
	p0 =	seq.s32 s16, $0x0;
	[sflag:s20] =	ssyncadd.s32 $0xFFFFB000  }
0x48: {  	[hbm4b:s18+s2] =	stream.linear.scatter [tilespmem:s12], [sflag:$0x5], $0x5000, $0x38;
	[tilespmem:$0x1A400] =	vst v63  }
0x49: {  	s4 =	simm.s32 @p0 $0x780;
	s5 =	simm.s32 @p0 $0x15400;
	s18 =	simm.s32 @p0 $0x80  }
0x4a: {  	[tilespmem:s5], [sflag:$0x4] =	stream.indirect.gather @p0 [hbm4b:s3+s18], $0x20, s4, s18, $0xb8;
	[tilespmem:$0x1A400] =	vst v63  }
0x4b: {  	s4 =	simm.s32 @p0 $0x800;
	s5 =	simm.s32 @p0 $0x16400  }
0x4c: {  	[tilespmem:s5], [sflag:$0x4] =	stream.indirect.gather @p0 [hbm4b:s3+s18], $0x20, s4, s18, $0xb8;
	[tilespmem:$0x1A400] =	vst v63  }
0x4d: {  	s4 =	simm.s32 @p0 $0x880;
	s5 =	simm.s32 @p0 $0x17400  }
0x4e: {  	[tilespmem:s5], [sflag:$0x4] =	stream.indirect.gather @p0 [hbm4b:s3+s18], $0x20, s4, s18, $0xb8;
	[tilespmem:$0x1A400] =	vst v63  }
0x4f: {  	s4 =	simm.s32 @!p0 $0x8  }
0x50: {  	_ =	swait.ge @!p0 [sflag:s4], $0x5000  }
0x51: {  	[sflag:s4] =	ssyncset.done @!p0 $0x0  }
0x52: {  	[sflag:s4] =	ssyncadd.s32 @!p0 $0xFFFFB000;
	s4 =	sshra.s32 @!p0 s16, $0x2  }
0x53: {  	s10 =	simm.s32 @!p0 $0x15400;
	s18 =	simm.s32 @!p0 $0x80;
	s5 =	sadd.s32 @!p0 $0x780, s4  }
0x54: {  	[tilespmem:s10], [sflag:$0x4] =	stream.indirect.gather @!p0 [hbm4b:s3+s18], $0x20, s5, s18, $0xb8;
	[tilespmem:$0x1A400] =	vst v63  }
0x55: {  	s5 =	sadd.s32 @!p0 $0x800, s4;
	s10 =	simm.s32 @!p0 $0x16400  }
0x56: {  	[tilespmem:s10], [sflag:$0x4] =	stream.indirect.gather @!p0 [hbm4b:s3+s18], $0x20, s5, s18, $0xb8;
	[tilespmem:$0x1A400] =	vst v63  }
0x57: {  	s5 =	sadd.s32 @!p0 $0x880, s4;
	s10 =	simm.s32 @!p0 $0x17400;
	s4 =	simm.s32 @p0 $0x0  }
0x58: {  	[tilespmem:s10], [sflag:$0x4] =	stream.indirect.gather @!p0 [hbm4b:s3+s18], $0x20, s5, s18, $0xb8;
	[tilespmem:$0x1A400] =	vst v63  }
0x59: {  	s18 =	sadd.s32 $0x900, s4  }
0x5a: {  	[tilespmem:s22], [sflag:$0x4] =	stream.indirect.gather [hbm4b:s3+s11], $0x20, s18, s11, $0xb8;
	[tilespmem:$0x1A400] =	vst v63  }
0x5b: {  	s4 =	sadd.s32 $0x980, s4  }
0x5c: {  	[tilespmem:s23], [sflag:$0x4] =	stream.indirect.gather [hbm4b:s3+s11], $0x20, s4, s11, $0xb8;
	[tilespmem:$0x1A400] =	vst v63  }
0x5d: {  	_ =	swait.ge [sflag:s24], $0x5000  }
0x5e: {  	p0 =	seq.s32 s16, $0x16800;
	[sflag:s24] =	ssyncset.done $0x0  }
0x5f: {  	s10 =	sadd.s32 s16, s8;
	s4 =	simm.s32 @!p0 $0x5;
	[sflag:s24] =	ssyncadd.s32 $0xFFFFB000  }
0x60: {  	[hbm4b:s10+s2] =	stream.linear.scatter [tilespmem:s21], [sflag:$0x6], $0x5000, $0x38;
	[tilespmem:$0x1A400] =	vst v63  }
0x61: {  	_ =	swait.ge @!p0 [sflag:s4], $0x5000  }
0x62: {  	[sflag:s4] =	ssyncset.done @!p0 $0x0  }
0x63: {  	[sflag:s4] =	ssyncadd.s32 @!p0 $0xFFFFB000;
	s4 =	sshra.s32 @!p0 s16, $0x2  }
0x64: {  	s18 =	simm.s32 @!p0 $0x6400;
	s10 =	simm.s32 @!p0 $0x80;
	s5 =	sadd.s32 @!p0 $0xA00, s4  }
0x65: {  	[tilespmem:s18], [sflag:$0x1] =	stream.indirect.gather @!p0 [hbm4b:s3+s10], $0x20, s5, s10, $0xb8;
	[tilespmem:$0x1A400] =	vst v63  }
0x66: {  	s5 =	sadd.s32 @!p0 $0xA80, s4;
	s18 =	simm.s32 @!p0 $0x7400  }
0x67: {  	[tilespmem:s18], [sflag:$0x1] =	stream.indirect.gather @!p0 [hbm4b:s3+s10], $0x20, s5, s10, $0xb8;
	[tilespmem:$0x1A400] =	vst v63  }
0x68: {  	s5 =	sadd.s32 @!p0 $0xB00, s4;
	s18 =	simm.s32 @!p0 $0x8400  }
0x69: {  	[tilespmem:s18], [sflag:$0x1] =	stream.indirect.gather @!p0 [hbm4b:s3+s10], $0x20, s5, s10, $0xb8;
	[tilespmem:$0x1A400] =	vst v63  }
0x6a: {  	s5 =	sadd.s32 @!p0 $0xB80, s4;
	s18 =	simm.s32 @!p0 $0x9400  }
0x6b: {  	[tilespmem:s18], [sflag:$0x1] =	stream.indirect.gather @!p0 [hbm4b:s3+s10], $0x20, s5, s10, $0xb8;
	[tilespmem:$0x1A400] =	vst v63  }
0x6c: {  	s5 =	sadd.s32 @!p0 $0xC00, s4;
	s18 =	simm.s32 @!p0 $0xA400  }
0x6d: {  	[tilespmem:s18], [sflag:$0x1] =	stream.indirect.gather @!p0 [hbm4b:s3+s10], $0x20, s5, s10, $0xb8;
	[tilespmem:$0x1A400] =	vst v63  }
0x6e: {  	_ =	swait.ge [sflag:s25], $0x5000  }
0x6f: {  	[sflag:s25] =	ssyncset.done $0x0  }
0x70: {  	s18 =	sadd.s32 s16, s7;
	s5 =	simm.s32 @!p0 $0x6;
	[sflag:s25] =	ssyncadd.s32 $0xFFFFB000  }
0x71: {  	[hbm4b:s18+s2] =	stream.linear.scatter [tilespmem:s1], [sflag:$0x7], $0x5000, $0x38;
	[tilespmem:$0x1A400] =	vst v63  }
0x72: {  	_ =	swait.ge @!p0 [sflag:s5], $0x5000  }
0x73: {  	[sflag:s5] =	ssyncset.done @!p0 $0x0  }
0x74: {  	s18 =	simm.s32 @!p0 $0xB400;
	[sflag:s5] =	ssyncadd.s32 @!p0 $0xFFFFB000;
	s5 =	sadd.s32 @!p0 $0xC80, s4  }
0x75: {  	[tilespmem:s18], [sflag:$0x2] =	stream.indirect.gather @!p0 [hbm4b:s3+s10], $0x20, s5, s10, $0xb8;
	[tilespmem:$0x1A400] =	vst v63  }
0x76: {  	s5 =	sadd.s32 @!p0 $0xD00, s4;
	s18 =	simm.s32 @!p0 $0xC400  }
0x77: {  	[tilespmem:s18], [sflag:$0x2] =	stream.indirect.gather @!p0 [hbm4b:s3+s10], $0x20, s5, s10, $0xb8;
	[tilespmem:$0x1A400] =	vst v63  }
0x78: {  	s5 =	sadd.s32 @!p0 $0xD80, s4;
	s18 =	simm.s32 @!p0 $0xD400  }
0x79: {  	[tilespmem:s18], [sflag:$0x2] =	stream.indirect.gather @!p0 [hbm4b:s3+s10], $0x20, s5, s10, $0xb8;
	[tilespmem:$0x1A400] =	vst v63  }
0x7a: {  	s5 =	sadd.s32 @!p0 $0xE00, s4;
	s18 =	simm.s32 @!p0 $0xE400  }
0x7b: {  	[tilespmem:s18], [sflag:$0x2] =	stream.indirect.gather @!p0 [hbm4b:s3+s10], $0x20, s5, s10, $0xb8;
	[tilespmem:$0x1A400] =	vst v63  }
0x7c: {  	s4 =	sadd.s32 @!p0 $0xE80, s4;
	s5 =	simm.s32 @!p0 $0xF400  }
0x7d: {  	[tilespmem:s5], [sflag:$0x2] =	stream.indirect.gather @!p0 [hbm4b:s3+s10], $0x20, s4, s10, $0xb8;
	[tilespmem:$0x1A400] =	vst v63  }
.Ltmp2:
0x7e: {  	_ = 	snop;
	(pc) =	sbr.rel @p0 .LBB2_4-.Ltmp2, $4  }
0x7f: {  	_ =	swait.ge [sflag:s26], $0x5000  }
0x80: {  	[sflag:s26] =	ssyncset.done $0x0  }
0x81: {  	s18 =	sadd.s32 s16, s6;
	[sflag:s26] =	ssyncadd.s32 $0xFFFFB000  }
0x82: {  	[hbm4b:s18+s2] =	stream.linear.scatter [tilespmem:s28], [sflag:$0x8], $0x5000, $0x38;
	[tilespmem:$0x1A400] =	vst v63  }
0x83: {  	_ =	swait.ge [sflag:s31], $0x5000  }
0x84: {  	s4 =	sshra.s32 s16, $0x2;
	[sflag:s31] =	ssyncset.done $0x0  }
0x85: {  	s5 =	sadd.s32 $0xF00, s4;
	[sflag:s31] =	ssyncadd.s32 $0xFFFFB000  }
0x86: {  	[tilespmem:s1], [sflag:$0x3] =	stream.indirect.gather [hbm4b:s3+s11], $0x20, s5, s11, $0xb8;
	[tilespmem:$0x1A400] =	vst v63  }
0x87: {  	s18 =	sadd.s32 $0xF80, s4  }
0x88: {  	[tilespmem:s13], [sflag:$0x3] =	stream.indirect.gather [hbm4b:s3+s11], $0x20, s18, s11, $0xb8;
	[tilespmem:$0x1A400] =	vst v63  }
0x89: {  	s10 =	sadd.s32 $0x1000, s4  }
0x8a: {  	[tilespmem:s15], [sflag:$0x3] =	stream.indirect.gather [hbm4b:s3+s11], $0x20, s10, s11, $0xb8;
	[tilespmem:$0x1A400] =	vst v63  }
.Ltmp3:
0x8b: {  	_ = 	snop;
	(pc) =	sbr.rel .LBB2_2-.Ltmp3, $4  }
0x8c: {  	s18 =	sadd.s32 $0x1080, s4  }
0x8d: {  	[tilespmem:s17], [sflag:$0x3] =	stream.indirect.gather [hbm4b:s3+s11], $0x20, s18, s11, $0xb8;
	[tilespmem:$0x1A400] =	vst v63  }
0x8e: {  	s16 =	sadd.s32 $0x2800, s16;
	s4 =	sadd.s32 $0x1100, s4  }
0x8f: {  	[tilespmem:s19], [sflag:$0x3] =	stream.indirect.gather [hbm4b:s3+s11], $0x20, s4, s11, $0xb8;
	[tilespmem:$0x1A400] =	vst v63  }
.LBB2_5:
0x90: {  	_ =	sfence.sel $0x180000  }
0x91: {  	[bflag:$0x0] =	sbarrier.arrive $0xFFFF  }
0x92: {  	_ =	strace $0x90000047  }
0x93: {  	s0 =	stileid.u32;
	[bflag:$0x2] =	sbarrier.arrive $0xFFFF  }
0x94: {  	p0 =	sne.s32 s0, $0x0;
	s0 =	rddreg [dreg:$0x2]  }
0x95: {  	s0 =	sadd.s32 @!p0 $0x100000, s0  }
0x96: {  	[sflag:s0] =	ssyncadd.tile.s32 @!p0 $0x1;
	_ =	shalt  }
.Lfunc_end2:
_tile_overlayer_lowered:
.L_overlay_start_2:
0x97: {  	(tag) =	ssettag $0x2  }
0x98: {  	s0 =	rddreg [dreg:$0x0];
	s2 =	stileid.u32  }
0x99: {  	s1 =	rddreg [dreg:$0x1];
	p0 =	sne.s32 s2, $0x0  }
0x9a: {  	s3 =	rddreg [dreg:$0x2];
	[bflag:$0x3] =	sbarrier.arrive $0xFFFF;
	s2 =	simm.s32 @!p0 $0x1C09  }
0x9b: {  	[timem:s3], [sflag:s2] =	dma.local @!p0 [hbm:s0], s1  }
0x9c: {  	s0 =	simm.s32 @!p0 $0x9  }
0x9d: {  	_ =	swait.ge @!p0 [sflag:s0], s1  }
0x9e: {  	s1 =	ssub.s32 @!p0 $0x0, s1;
	[sflag:s0] =	ssyncset.done @!p0 $0x0  }
0x9f: {  	[sflag:s0] =	ssyncadd.s32 @!p0 s1  }
0xa0: {  	[bflag:$0x3] =	sbarrier.arrive $0xFFFF  }
0xa1: {  	_ =	shalt  }

// kernel: sparse-core-data-format-call.cloned.1.call-start
scs
called_computation_lowered:
.L_overlay_start_0:
0x0: {  	s2 =	sld [smem:$0x3FD9]  }
0x1: {  	s3 =	sld [smem:$0x3FFE];
	_ =	sdelay $0x1  }
0x2: {  	s1 =	srdreg.scid  }
0x3: {  	s0 =	sand.u32 $0x1, s1  }
0x4: {  	s18 =	sshll.u32 s0, $0xA;
	s2 =	sadd.s32 s3, s2  }
0x5: {  	s2 =	sadd.s32 s2, s18  }
0x6: {  	[smem:$0x3FC6] =	sst s2  }
0x7: {  	_ = 	snop  }
0x8: {  	s2 =	sld [smem:$0x3FD0];
	(tm) =	ssettm $0x1  }
0x9: {  	s19 =	sld [smem:$0x3FFB];
	_ =	sdelay $0x3  }
0xa: {  	_ =	strace s19  }
0xb: {  	s3 =	sld [smem:$0x3FFC];
	_ =	sdelay $0x3  }
0xc: {  	_ =	strace s3  }
0xd: {  	s3 =	sld [smem:$0x3FFD];
	_ =	sdelay $0x3  }
0xe: {  	_ =	strace s3  }
0xf: {  	_ =	strace $0x8FFFFFFF  }
0x10: {  	s20 =	sld [smem:$0x3FDB];
	_ =	sdelay $0x1  }
0x11: {  	s4 =	simm.s32 $_scs_section_size  }
0x12: {  	s5 =	simm.s32 $_size__tile_overlayer_lowered;
	s6 =	simm.s32 $_tile_overlayer_lowered  }
0x13: {  	s23 =	simm.s32 $0x1BFF;
	s22 =	sshll.u32 s6, $0x1;
	s3 =	sadd.s32 s4, s20  }
0x14: {  	s7 =	simm.s32 $0x0;
	s21 =	sshll.u32 s5, $0x1;
	s5 =	sadd.s32 s22, s3  }
0x15: {  	[timem:s7], [sflag:s23] =	dma.local [hbm:s5], s21  }
0x16: {  	_ =	swait.ge [sflag:s23], s21  }
0x17: {  	s4 =	ssub.s32 $0x0, s21;
	[sflag:s23] =	ssyncset.done $0x0  }
0x18: {  	[sflag:s23] =	ssyncadd.s32 s4;
	_ =	sdelay $0x1  }
0x19: {  	s24 =	simm.s32 $0x1B8B  }
0x1a: {  	_ =	swait.ge [sflag:s24], $0x1  }
0x1b: {  	[sflag:s24] =	ssyncset.done $0x0  }
0x1c: {  	s26 =	simm.s32 $0x1B8E;
	s25 =	sld [smem:$0x3FFE];
	[sflag:s24] =	ssyncadd.s32 $0xFFFFFFFF  }
0x1d: {  	s27 =	simm.s32 $execute0_lowered;
	[smem:$0x3FD2] =	sst s26  }
0x1e: {  	s5 =	sshll.u32 s27, $0x1;
	_ =	strace $0x80000049;
	[dreg:$0x1] =	wrdreg $0xFFFFFFFF  }
0x1f: {  	s28 =	simm.s32 $_size_execute0_lowered;
	s3 =	sadd.s32 s3, s5;
	[dreg:$0x0] =	wrdreg $0x0  }
0x20: {  	s5 =	sshll.u32 s28, $0x1;
	[dreg:$0x2] =	wrdreg s3  }
0x21: {  	[dreg:$0x3] =	wrdreg s5  }
0x22: {  	[dreg:$0x4] =	wrdreg $0xC0  }
0x23: {  	_ =	task [dreg:s7], $0x5FFFF  }
0x24: {  	[dreg:$0x1] =	wrdreg $0xFFFFFFFF  }
0x25: {  	[dreg:$0x0] =	wrdreg $0x60  }
0x26: {  	[dreg:$0x2] =	wrdreg s25  }
0x27: {  	[dreg:$0x3] =	wrdreg s2  }
0x28: {  	[dreg:$0x4] =	wrdreg $0x9  }
0x29: {  	_ =	task.clear_ibuf [dreg:s7], $0x5FFFF;
	_ =	strace $0x90000049  }
0x2a: {  	s29 =	simm.s32 $0x9;
	_ =	strace $0x8000004B  }
0x2b: {  	_ =	swait.ge [sflag:s29], $0x1  }
0x2c: {  	[sflag:s29] =	ssyncadd.s32 $0xFFFFFFFF  }
0x2d: {  	_ =	strace $0x9000004B  }
0x2e: {  	_ =	sfence  }
0x2f: {  	s30 =	sld [smem:$0x0];
	_ =	sdelay $0x2  }
0x30: {  	s31 =	sshll.u32 s1, $0xD;
	s1 =	sshrl.u32 s1, $0x2  }
0x31: {  	s3 =	sand.u32 $0x4000, s31;
	s1 =	sadd.s32 s1, s30  }
0x32: {  	s0 =	sor.u32 s3, s0;
	s1 =	sshll.u32 s1, $0x11  }
0x33: {  	s0 =	sor.u32 s1, s0  }
0x34: {  	s0 =	sadd.s32 $0x8F2B, s0  }
0x35: {  	[sflag:s0] =	ssyncadd.remote.s32 $0x1  }
0x36: {  	_ =	sfence.sel $0xFFFF  }
0x37: {  	[dreg:$0x0] =	wrdreg $0xFFFFFFFF;
	(pc) =	sbr.abs _section_cstart, $3  }
0x38: {  	[dreg:$0x1] =	wrdreg $0xFFFFFFFF  }
0x39: {  	_ =	task.clear_ibuf [dreg:s7], $0x2FFFF;
	_ =	strace $0x9FFFFFFF  }
0x3a: {  	(tm) =	ssettm $0x7FFFFFFF  }
0x3b: {  	_ =	shalt  }
tec
execute0_lowered:
.L_overlay_start_1:
0x0: {  	(tag) =	ssettag $0x1  }
0x1: {  	s0 =	srdreg.scid  }
0x2: {  	s1 =	sshll.u32 s0, $0x4  }
0x3: {  	s0 =	stileid.u32;
	s1 =	sand.u32 $0x10, s1  }
0x4: {  	s1 =	sor.u32 s0, s1  }
0x5: {  	s6 =	rddreg [dreg:$0x0];
	s4 =	simm.s32 $0x1;
	s2 =	sshll.u32 s1, $0x7  }
0x6: {  	s7 =	simm.s32 $0x2;
	s12 =	simm.s32 $0x0;
	s1 =	ssub.s32 $0x1000, s2  }
0x7: {  	s8 =	simm.s32 $0x8000;
	s13 =	simm.s32 $0x0;
	s3 =	sand.u32 $0xF80, s1  }
0x8: {  	s9 =	simm.s32 $0x0;
	s5 =	sshrl.u32 s1, $0xC;
	p0 =	sne.s32 s3, $0x0  }
.Ltmp0:
0x9: {  	s1 =	rddreg [dreg:$0x2];
	s4 =	simm.s32 @!p0 $0x0;
	(pc) =	sbr.rel .LBB1_1-.Ltmp0, $4  }
0xa: {  	s11 =	simm.s32 $0x0;
	s3 =	rddreg [dreg:$0x1];
	s5 =	sadd.s32 s4, s5  }
0xb: {  	_ =	strace $0x8000004A;
	s4 =	simm.s32 $0x1;
	s5 =	smul.u32 $0xC8, s5  }
0xc: {  	s6 =	sadd.s32 $0x800, s6;
	s10 =	smov.u32 s2;
	[sflag:s4] =	ssyncpa.u1 $0x0  }
0xd: {  	p0 =	por $0x0, $0x0;
	[sflag:s7] =	ssyncpa.u1 $0x0;
	s7 =	sor.u32 $0x1, s5  }
.LBB1_4:
0xe: {  	s16 =	sshll.u32 s13, $0x3;
	s17 =	sand.u32 $0x78, s13  }
0xf: {  	s30 =	sand.u32 $0x3E00, s13;
	s12 =	sshll.u32 s12, $0xE;
	s16 =	sand.u32 $0xC00, s16  }
0x10: {  	s31 =	sand.u32 $0x7, s13;
	s16 =	sor.u32 s17, s16;
	s17 =	sadd.s32 s3, s30  }
0x11: {  	s13 =	sshll.u32 s31, $0x12;
	s16 =	sshrl.u32 s16, $0x3;
	s12 =	sadd.s32 s12, s17  }
0x12: {  	[tilespmem:s15+$0x0 ss:$0x81] =	vst.msk $0xffff, v0;
	s13 =	sor.u32 $0x400, s13;
	s12 =	sadd.s32 s16, s12  }
0x13: {  	[hbm4b:s12+s13] =	stream.strided.scatter [tilespmem:s14], [sflag:$0x2], $0x1000, s8, s13, $0x20;
	[tilespmem:$0x4040] =	vst v63  }
.LBB1_5:
0x14: {  	s14 =	sadd.s32 $0x1, s9  }
0x15: {  	s12 =	sadd.s32 $0x1000, s10;
	s16 =	smov.u32 s10;
	p2 =	sgt.s32 s14, $0xC7  }
0x16: {  	s16 =	smov.u32 @p2 s12  }
0x17: {  	s14 =	simm.s32 @p2 $0x0;
	p2 =	sgt.s32 s16, $0xFFF  }
0x18: {  	s16 =	smov.u32 @p2 s2;
	p2 =	sne.s32 s11, s7  }
.Ltmp1:
0x19: {  	p1 =	slt.u32 s11, $0x2;
	(pc) =	sbr.rel @!p2 .LBB1_6-.Ltmp1, $4  }
0x1a: {  	s15 =	simm.s32 @!p1 $0x2  }
0x1b: {  	s13 =	smov.u32 s10;
	p0 =	por !p0, !p0;
	_ =	swait.ge @!p1 [sflag:s15], $0x1000  }
0x1c: {  	s12 =	smov.u32 s9;
	[sflag:s15] =	ssyncset.done @!p1 $0x0;
	s9 =	smov.u32 s14  }
0x1d: {  	s11 =	sadd.s32 $0x1, s11;
	[sflag:s15] =	ssyncadd.s32 @!p1 $0xFFFFF000;
	s10 =	smov.u32 s16  }
.LBB1_1:
0x1e: {  	p1 =	sge.u32 s11, s5  }
0x1f: {  	s14 =	sand.u32 @!p1 $0x1FFFFFF, s9  }
0x20: {  	s15 =	smulhi.u32 @!p1 $0x147AE15, s14;
	_ =	sdelay $0x1  }
0x21: {  	s15 =	smul.u32 @!p1 $0xC8, s15  }
0x22: {  	s16 =	sxor.u32 @!p1 $0xFFFFFFFF, s11;
	s17 =	smul.u32 @!p1 $0xC80, s10  }
0x23: {  	s31 =	sadd.s32 $0xFFFFFFFF, s11;
	s16 =	sshll.u32 @!p1 s16, $0xC;
	s14 =	ssub.s32 @!p1 s14, s15  }
0x24: {  	s15 =	sand.u32 @!p1 $0x1000, s16;
	s16 =	sadd.s32 @!p1 s6, s17;
	s14 =	sshll.u32 @!p1 s14, $0x4  }
0x25: {  	s17 =	simm.s32 @!p1 $0x6400;
	s14 =	sadd.s32 @!p1 s14, s16;
	s16 =	simm.s32 @!p1 $0x20  }
0x26: {  	[tilespmem:s15], [sflag:$0x1] =	stream.strided.gather @!p1 [hbm4b:s14+s16], $0x1000, s17, s16, $0x38;
	[tilespmem:$0x4040] =	vst v63  }
0x27: {  	p1 =	sge.u32 s31, s5  }
.Ltmp2:
0x28: {  	_ = 	snop;
	(pc) =	sbr.rel @p1 .LBB1_5-.Ltmp2, $1  }
0x29: {  	_ =	sdelay $0x3  }
0x2a: {  	s14 =	simm.s32 $0x1  }
0x2b: {  	_ =	swait.ge [sflag:s4], $0x1000;
	s14 =	simm.s32 @!p0 $0x0  }
0x2c: {  	[sflag:s4] =	ssyncset.done $0x0;
	s15 =	sshll.u32 s14, $0xC  }
0x2d: {  	[sflag:s4] =	ssyncadd.s32 $0xFFFFF000;
	s18 =	sor.u32 $0x10, s15  }
0x2e: {  	s14 =	smul.u32 $0x4080, s14;
	v1 =	vld [tilespmem:s18+$0x0]  }
0x2f: {  	s30 =	sand.u32 $0x1, s11;
	v0 =	vld [tilespmem:s18+$0xFFFFFFF0]  }
0x30: {  	s15 =	smul.u32 $0x4080, s30;
	s14 =	sshrl.u32 s14, $0x2  }
0x31: {  	s16 =	sor.u32 $0x2000, s14  }
0x32: {  	s31 =	sshrl.u32 s15, $0x2;
	s15 =	sadd.s32 $0x0, s16  }
0x33: {  	s17 =	simm.s32 $0x4;
	s18 =	sadd.s32 $0x20, s18;
	s14 =	sor.u32 $0x2000, s31;
	[tilespmem:s15+$0x810 ss:$0x81] =	vst.msk $0xffff, v1  }
.LBB1_3:
0x34: {  	v1 =	vld [tilespmem:s18+$0x0];
	p1 =	sne.s32 s17, $0x1FC;
	[tilespmem:s15+$0x0 ss:$0x81] =	vst.msk $0xffff, v0;
	s15 =	smov.u32 s17;
	s17 =	sadd.s32 $0x4, s17  }
.Ltmp3:
0x35: {  	v0 =	vld [tilespmem:s18+$0xFFFFFFF0];
	(pc) =	sbr.rel @p1 .LBB1_3-.Ltmp3, $4  }
0x36: {  	_ = 	snop  }
0x37: {  	s15 =	sshra.s32 s15, $0x2  }
0x38: {  	s15 =	sadd.s32 s15, s16  }
0x39: {  	s18 =	sadd.s32 $0x20, s18;
	[tilespmem:s15+$0x810 ss:$0x81] =	vst.msk $0xffff, v1  }
.Ltmp4:
0x3a: {  	_ = 	snop;
	(pc) =	sbr.rel .LBB1_4-.Ltmp4, $1  }
0x3b: {  	_ =	sdelay $0x3  }
.LBB1_6:
0x3c: {  	_ =	sfence.sel $0x180000  }
0x3d: {  	s2 =	simm.s32 $0x1;
	[bflag:$0x0] =	sbarrier.arrive $0xFFFF  }
0x3e: {  	s31 =	simm.s32 $0x2;
	[sflag:s2] =	ssyncpa.u1 $0x1  }
0x3f: {  	[sflag:s31] =	ssyncpa.u1 $0x1  }
0x40: {  	p0 =	sne.s32 s0, $0x0;
	_ =	strace $0x9000004A  }
0x41: {  	s0 =	sadd.s32 @!p0 $0x100000, s1;
	[bflag:$0x2] =	sbarrier.arrive $0xFFFF  }
0x42: {  	[sflag:s0] =	ssyncadd.tile.s32 @!p0 $0x1;
	_ =	shalt  }
.Lfunc_end1:
_tile_overlayer_lowered:
.L_overlay_start_2:
0x43: {  	(tag) =	ssettag $0x2  }
0x44: {  	s0 =	rddreg [dreg:$0x0];
	s2 =	stileid.u32  }
0x45: {  	s1 =	rddreg [dreg:$0x1];
	p0 =	sne.s32 s2, $0x0  }
0x46: {  	s3 =	rddreg [dreg:$0x2];
	[bflag:$0x3] =	sbarrier.arrive $0xFFFF;
	s2 =	simm.s32 @!p0 $0x1C01  }
0x47: {  	[timem:s3], [sflag:s2] =	dma.local @!p0 [hbm:s0], s1  }
0x48: {  	s0 =	simm.s32 @!p0 $0x1  }
0x49: {  	_ =	swait.ge @!p0 [sflag:s0], s1  }
0x4a: {  	s1 =	ssub.s32 @!p0 $0x0, s1;
	[sflag:s0] =	ssyncset.done @!p0 $0x0  }
0x4b: {  	[sflag:s0] =	ssyncadd.s32 @!p0 s1  }
0x4c: {  	[bflag:$0x3] =	sbarrier.arrive $0xFFFF  }
0x4d: {  	_ =	shalt  }

</sc_bundles>
